<compile_context>
chip_gen: v7x
topology: tpu7x:2x2x1
jax: 0.10.2.dev20260603
libtpu: 0.0.44.dev20260713+nightly
codegen_flags: <defaults>
</compile_context>

<pallas_src>
import functools

import jax
import jax.numpy as jnp
from jax import lax
from jax.experimental import pallas as pl
from jax.experimental.pallas import tpu as pltpu
from jax.experimental.pallas import tpu_sc as plsc

_GRP = 128
_K = 8
_BLK = _GRP * _K


def _sc_gather(table, idx3):
    NW, G, GRP = idx3.shape
    N, D = table.shape
    nblk = G // _K
    per_w = G * GRP
    out_rows = NW * per_w // 4
    mesh = plsc.VectorSubcoreMesh(core_axis_name="c", subcore_axis_name="s")
    NC = mesh.num_cores

    @functools.partial(
        pl.kernel,
        out_type=jax.ShapeDtypeStruct((out_rows, 4 * D), jnp.float32),
        mesh=mesh,
        compiler_params=pltpu.CompilerParams(use_tc_tiling_on_sc=False),
        scratch_types=[
            pltpu.VMEM((G, GRP), jnp.int32),
            pltpu.VMEM((2, _BLK, D), jnp.float32),
            pltpu.SemaphoreType.DMA,
            pltpu.SemaphoreType.DMA,
            pltpu.SemaphoreType.DMA,
            pltpu.SemaphoreType.DMA,
        ],
    )
    def gather_k(table_hbm, idx_hbm, out_hbm, idx_v, rows2, g0s, g1s, w0s, w1s):
        gsem = (g0s, g1s)
        wsem = (w0s, w1s)
        wid = lax.axis_index("s") * NC + lax.axis_index("c")
        pltpu.sync_copy(idx_hbm.at[wid], idx_v)
        r = wid // 2
        q = r // 4
        t = r % 4
        row0 = q * N + (wid % 2) * per_w

        def out_slice(blk):
            return out_hbm.at[pl.ds(row0 + blk * _BLK, _BLK), pl.ds(t * D, D)]

        def fire(blk, p):
            for b in range(_K):
                pltpu.async_copy(
                    table_hbm.at[idx_v.at[blk * _K + b]],
                    rows2.at[p].at[pl.ds(b * GRP, GRP)],
                    gsem[p],
                )

        def drain(blk, p):
            for b in range(_K):
                pltpu.make_async_copy(
                    table_hbm.at[idx_v.at[blk * _K + b]],
                    rows2.at[p].at[pl.ds(b * GRP, GRP)],
                    gsem[p],
                ).wait()

        fire(0, 0)

        @pl.loop(0, nblk // 2)
        def _pair(i):
            for p in (0, 1):
                j = 2 * i + p
                o = 1 - p

                def _fire_next(j=j, p=p, o=o):
                    @pl.when(j >= 1)
                    def _():
                        pltpu.make_async_copy(
                            rows2.at[o], out_slice(j - 1), wsem[o]
                        ).wait()
                    fire(j + 1, o)

                if p == 0:
                    _fire_next()
                else:
                    pl.when(i < nblk // 2 - 1)(_fire_next)

                drain(j, p)
                pltpu.async_copy(rows2.at[p], out_slice(j), wsem[p])

        pltpu.make_async_copy(rows2.at[0], out_slice(nblk - 2), w0s).wait()
        pltpu.make_async_copy(rows2.at[1], out_slice(nblk - 1), w1s).wait()

    return gather_k(table, idx3)


def _prep_body(x_ref, o_ref):
    xb = x_ref[...]
    bt, c, bx, y, z = xb.shape
    o_ref[...] = xb.reshape(bt * c, bx * y * z).T


def _prep_table(x):
    BT, C, X, Y, Z = x.shape
    BX = 2
    BN = BX * Y * Z
    N = X * Y * Z
    return pl.pallas_call(
        _prep_body,
        grid=(X // BX,),
        in_specs=[pl.BlockSpec((BT, C, BX, Y, Z), lambda i: (0, 0, i, 0, 0))],
        out_specs=pl.BlockSpec((BN, BT * C), lambda i: (i, 0)),
        out_shape=jax.ShapeDtypeStruct((N, BT * C), jnp.float32),
    )(x)


def _mix_body(ga, gb, gc, gd, w_ref, b_ref, o_ref):
    acc = b_ref[...]
    for q, g_ref in enumerate((ga, gb, gc, gd)):
        acc = acc + lax.dot_general(
            w_ref[q],
            g_ref[...],
            (((0,), (1,)), ((), ())),
            preferred_element_type=jnp.float32,
        )
    bt, c, bx, y, z = o_ref.shape
    o_ref[...] = acc.reshape(bt, c, bx, y, z)


def _mix_matmul(g3, w3, b2, grid_shape):
    BT, O, X, Y, Z = grid_shape
    BX = 4
    BM = BX * Y * Z
    n_nodes = X * Y * Z
    nb = n_nodes // BM
    g_spec = lambda q: pl.BlockSpec((BM, 128), lambda i, q=q: (q * nb + i, 0))
    return pl.pallas_call(
        _mix_body,
        grid=(nb,),
        in_specs=[
            g_spec(0), g_spec(1), g_spec(2), g_spec(3),
            pl.BlockSpec((4, 128, 32), lambda i: (0, 0, 0)),
            pl.BlockSpec((32, 1), lambda i: (0, 0)),
        ],
        out_specs=pl.BlockSpec((BT, O, BX, Y, Z), lambda i: (0, 0, i, 0, 0)),
        out_shape=jax.ShapeDtypeStruct((BT, O, X, Y, Z), jnp.float32),
    )(g3, g3, g3, g3, w3, b2)


def kernel(x, rand_indices, weight, bias):
    BT, C, X, Y, Z = x.shape
    N = X * Y * Z
    R = rand_indices.shape[1]
    O = weight.shape[0]
    D = BT * C
    NW = 32
    assert (N * R) % (NW * _GRP) == 0 and R == 16 and D == 32

    x_p = jnp.transpose(x, (0, 1, 2, 4, 3))
    x_t = _prep_table(x_p)
    yz = Y * Z
    ix = rand_indices // yz
    rem = rand_indices % yz
    riphi = ix * yz + (rem % Z) * Y + rem // Z
    idx3 = (
        riphi.reshape(X, Y, Z, R)
        .transpose(3, 0, 2, 1)
        .reshape(NW, (N * R) // (NW * _GRP), _GRP)
    )
    g3 = _sc_gather(x_t, idx3)

    wt = jnp.transpose(weight, (2, 1, 0))
    eye = jnp.eye(BT, dtype=weight.dtype)
    w2 = jnp.einsum("rco,bd->rbcdo", wt, eye).reshape(R * D, BT * O)
    w3 = w2.reshape(4, 128, BT * O)
    b2 = jnp.tile(bias, BT).reshape(BT * O, 1)

    out_p = _mix_matmul(g3, w3, b2, (BT, O, X, Z, Y))
    return jnp.transpose(out_p, (0, 1, 2, 4, 3))

# --- scband reference (transcript-rebuilt; emitter-appended) ---
"""Pipeline reference for scband-random-graph-mixer3-d-54073638256833 (READ-ONLY COPY).

The authoritative reference and input builder live on the scoring server;
editing this copy changes nothing except your own understanding.
"""

import jax, jax.numpy as jnp
import numpy as np
import math

C_IN = 16
C_OUT = 16
GRID = (64, 64, 24)
NUM_RAND = 16
BT = 2


def setup_inputs(seed: int = 0) -> dict:
    key = jax.random.key(seed)
    k1, k2, k3 = jax.random.split(key, 3)
    X, Y, Z = GRID
    N = X * Y * Z
    x = jax.random.normal(k1, (BT, C_IN, X, Y, Z), dtype=jnp.float32)
    rand_indices = jax.random.randint(k2, (N, NUM_RAND), 0, N, dtype=jnp.int32)
    # xavier_uniform on weight [c_out, c_in, num_rand]: fan_in = c_in*num_rand, fan_out = c_out*num_rand
    fan_in = C_IN * NUM_RAND
    fan_out = C_OUT * NUM_RAND
    bound = math.sqrt(6.0 / (fan_in + fan_out))
    weight = jax.random.uniform(k3, (C_OUT, C_IN, NUM_RAND), dtype=jnp.float32, minval=-bound, maxval=bound)
    bias = jnp.zeros((C_OUT,), dtype=jnp.float32)
    return {"x": x, "rand_indices": rand_indices, "weight": weight, "bias": bias}


def reference(x, rand_indices, weight, bias):
    BT_, C, X, Y, Z = x.shape
    N = X * Y * Z
    x_nodes = x.reshape(BT_, C, N)
    # gather: [BT, C, N, R]
    gathered = jnp.take(x_nodes, rand_indices, axis=2)
    # permute to [BT, C, R, N]
    gathered = jnp.transpose(gathered, (0, 1, 3, 2))
    out = jnp.einsum('ocr,bcrn->bon', weight, gathered) + bias.reshape(1, -1, 1)
    out = out.reshape(BT_, weight.shape[0], X, Y, Z)
    return out

if __name__ == "__main__":
    import jax
    _d = setup_inputs()
    print(jax.jit(kernel)(*tuple(_d.values())))

</pallas_src>

<mosaic_0001>
#map = affine_map<(d0, d1) -> (0, 0)>
#map1 = affine_map<(d0, d1) -> (0, 0, 0)>
module attributes {stable_mosaic.version = 14 : i64} {
  func.func @gather_k(%arg0: i32, %arg1: i32, %arg2: memref<98304x32xf32, #tpu.memory_space<hbm>>, %arg3: memref<32x384x128xi32, #tpu.memory_space<hbm>>, %arg4: memref<393216x128xf32, #tpu.memory_space<hbm>>, %arg5: memref<384x128xi32, #tpu.memory_space<vmem>>, %arg6: memref<2x1024x32xf32, #tpu.memory_space<vmem>>, %arg7: memref<!tpu.dma_semaphore, #tpu.memory_space<semaphore_mem>>, %arg8: memref<!tpu.dma_semaphore, #tpu.memory_space<semaphore_mem>>, %arg9: memref<!tpu.dma_semaphore, #tpu.memory_space<semaphore_mem>>, %arg10: memref<!tpu.dma_semaphore, #tpu.memory_space<semaphore_mem>>) attributes {dimension_semantics = [#tpu.dimension_semantics<core_parallel>, #tpu.dimension_semantics<subcore_parallel>], iteration_bounds = array<i64: 2, 16>, scalar_prefetch = 0 : i64, scratch_operands = 6 : i64, tpu.core_type = #tpu.core_type<sc_vector_subcore>, window_params = [{transform_indices = #map}, {transform_indices = #map1}, {transform_indices = #map}]} {
    %mul3A = arith.constant 2 : i32
    %mul3A_0 = arith.muli %arg1, %mul3A : i32
    %add3A = arith.addi %mul3A_0, %arg0 : i32
    "tpu.region"() ({
      %run_scoped3A = tpu.sem_alloc : memref<!tpu.dma_semaphore, #tpu.memory_space<semaphore_mem>>
      %dma_start3A_228 = arith.constant 0 : i32
      %dma_start3A_229 = arith.constant 0 : i32
      %dma_start3A_230 = tpu.memref_slice %arg3[%add3A, %dma_start3A_228, %dma_start3A_229] : memref<32x384x128xi32, #tpu.memory_space<hbm>> -> memref<1x384x128xi32, #tpu.memory_space<hbm>>
      %dma_start3A_231 = tpu.memref_squeeze %dma_start3A_230 : memref<1x384x128xi32, #tpu.memory_space<hbm>> -> memref<384x128xi32, #tpu.memory_space<hbm>>
      %dma_start3A_232 = arith.constant 0 : i32
      %dma_start3A_233 = arith.constant 0 : i32
      %dma_start3A_234 = tpu.memref_slice %arg3[%add3A, %dma_start3A_232, %dma_start3A_233] : memref<32x384x128xi32, #tpu.memory_space<hbm>> -> memref<1x384x128xi32, #tpu.memory_space<hbm>>
      %dma_start3A_235 = tpu.memref_squeeze %dma_start3A_234 : memref<1x384x128xi32, #tpu.memory_space<hbm>> -> memref<384x128xi32, #tpu.memory_space<hbm>>
      tpu.enqueue_dma source(%dma_start3A_235 : memref<384x128xi32, #tpu.memory_space<hbm>>) target(%arg5 : memref<384x128xi32, #tpu.memory_space<vmem>>) target_semaphore(%run_scoped3A : memref<!tpu.dma_semaphore, #tpu.memory_space<semaphore_mem>>)
      %dma_wait3A_236 = arith.constant 0 : i32
      %dma_wait3A_237 = arith.constant 0 : i32
      %dma_wait3A_238 = tpu.memref_slice %arg3[%add3A, %dma_wait3A_236, %dma_wait3A_237] : memref<32x384x128xi32, #tpu.memory_space<hbm>> -> memref<1x384x128xi32, #tpu.memory_space<hbm>>
      %dma_wait3A_239 = tpu.memref_squeeze %dma_wait3A_238 : memref<1x384x128xi32, #tpu.memory_space<hbm>> -> memref<384x128xi32, #tpu.memory_space<hbm>>
      %dma_wait3A_240 = arith.constant 0 : i32
      %dma_wait3A_241 = arith.constant 0 : i32
      %dma_wait3A_242 = tpu.memref_slice %arg3[%add3A, %dma_wait3A_240, %dma_wait3A_241] : memref<32x384x128xi32, #tpu.memory_space<hbm>> -> memref<1x384x128xi32, #tpu.memory_space<hbm>>
      %dma_wait3A_243 = tpu.memref_squeeze %dma_wait3A_242 : memref<1x384x128xi32, #tpu.memory_space<hbm>> -> memref<384x128xi32, #tpu.memory_space<hbm>>
      tpu.wait_dma2 semaphore(%run_scoped3A : memref<!tpu.dma_semaphore, #tpu.memory_space<semaphore_mem>>) src(%dma_wait3A_243 : memref<384x128xi32, #tpu.memory_space<hbm>>) dst(%arg5 : memref<384x128xi32, #tpu.memory_space<vmem>>)
      tpu.yield
    }) : () -> ()
    %jit3A = arith.constant 2 : i32
    %div3A = arith.divsi %add3A, %jit3A : i32
    %sign3A = arith.constant 0 : i32
    %sign3A_1 = arith.cmpi sgt, %add3A, %sign3A : i32
    %sign3A_2 = arith.extui %sign3A_1 : i1 to i32
    %sign3A_3 = arith.constant 0 : i32
    %sign3A_4 = arith.cmpi slt, %add3A, %sign3A_3 : i32
    %sign3A_5 = arith.extui %sign3A_4 : i1 to i32
    %sign3A_6 = arith.subi %sign3A_2, %sign3A_5 : i32
    %sign3A_7 = arith.constant 0 : i32
    %sign3A_8 = arith.cmpi sgt, %jit3A, %sign3A_7 : i32
    %sign3A_9 = arith.extui %sign3A_8 : i1 to i32
    %sign3A_10 = arith.constant 0 : i32
    %sign3A_11 = arith.cmpi slt, %jit3A, %sign3A_10 : i32
    %sign3A_12 = arith.extui %sign3A_11 : i1 to i32
    %sign3A_13 = arith.subi %sign3A_9, %sign3A_12 : i32
    %ne3A = arith.cmpi ne, %sign3A_6, %sign3A_13 : i32
    %rem3A = arith.remsi %add3A, %jit3A : i32
    %ne3A_14 = arith.constant 0 : i32
    %ne3A_15 = arith.cmpi ne, %rem3A, %ne3A_14 : i32
    %and3A = arith.andi %ne3A, %ne3A_15 : i1
    %sub3A = arith.constant 1 : i32
    %sub3A_16 = arith.subi %div3A, %sub3A : i32
    %select_n3A = arith.select %and3A, %sub3A_16, %div3A : i32
    %jit3A_17 = arith.constant 4 : i32
    %div3A_18 = arith.divsi %select_n3A, %jit3A_17 : i32
    %sign3A_19 = arith.constant 0 : i32
    %sign3A_20 = arith.cmpi sgt, %select_n3A, %sign3A_19 : i32
    %sign3A_21 = arith.extui %sign3A_20 : i1 to i32
    %sign3A_22 = arith.constant 0 : i32
    %sign3A_23 = arith.cmpi slt, %select_n3A, %sign3A_22 : i32
    %sign3A_24 = arith.extui %sign3A_23 : i1 to i32
    %sign3A_25 = arith.subi %sign3A_21, %sign3A_24 : i32
    %sign3A_26 = arith.constant 0 : i32
    %sign3A_27 = arith.cmpi sgt, %jit3A_17, %sign3A_26 : i32
    %sign3A_28 = arith.extui %sign3A_27 : i1 to i32
    %sign3A_29 = arith.constant 0 : i32
    %sign3A_30 = arith.cmpi slt, %jit3A_17, %sign3A_29 : i32
    %sign3A_31 = arith.extui %sign3A_30 : i1 to i32
    %sign3A_32 = arith.subi %sign3A_28, %sign3A_31 : i32
    %ne3A_33 = arith.cmpi ne, %sign3A_25, %sign3A_32 : i32
    %rem3A_34 = arith.remsi %select_n3A, %jit3A_17 : i32
    %ne3A_35 = arith.constant 0 : i32
    %ne3A_36 = arith.cmpi ne, %rem3A_34, %ne3A_35 : i32
    %and3A_37 = arith.andi %ne3A_33, %ne3A_36 : i1
    %sub3A_38 = arith.constant 1 : i32
    %sub3A_39 = arith.subi %div3A_18, %sub3A_38 : i32
    %select_n3A_40 = arith.select %and3A_37, %sub3A_39, %div3A_18 : i32
    %jit3A_41 = arith.constant 4 : i32
    %eq3A = arith.constant 0 : i32
    %eq3A_42 = arith.cmpi eq, %jit3A_41, %eq3A : i32
    %jit3A_43 = arith.constant 1 : i32
    %select_n3A_44 = arith.select %eq3A_42, %jit3A_43, %jit3A_41 : i32
    %rem3A_45 = arith.remsi %select_n3A, %select_n3A_44 : i32
    %ne3A_46 = arith.constant 0 : i32
    %ne3A_47 = arith.cmpi ne, %rem3A_45, %ne3A_46 : i32
    %lt3A = arith.constant 0 : i32
    %lt3A_48 = arith.cmpi slt, %rem3A_45, %lt3A : i32
    %lt3A_49 = arith.constant 0 : i32
    %lt3A_50 = arith.cmpi slt, %select_n3A_44, %lt3A_49 : i32
    %ne3A_51 = arith.xori %lt3A_48, %lt3A_50 : i1
    %and3A_52 = arith.andi %ne3A_51, %ne3A_47 : i1
    %add3A_53 = arith.addi %rem3A_45, %select_n3A_44 : i32
    %select_n3A_54 = arith.select %and3A_52, %add3A_53, %rem3A_45 : i32
    %mul3A_55 = arith.constant 98304 : i32
    %mul3A_56 = arith.muli %select_n3A_40, %mul3A_55 : i32
    %jit3A_57 = arith.constant 2 : i32
    %eq3A_58 = arith.constant 0 : i32
    %eq3A_59 = arith.cmpi eq, %jit3A_57, %eq3A_58 : i32
    %jit3A_60 = arith.constant 1 : i32
    %select_n3A_61 = arith.select %eq3A_59, %jit3A_60, %jit3A_57 : i32
    %rem3A_62 = arith.remsi %add3A, %select_n3A_61 : i32
    %ne3A_63 = arith.constant 0 : i32
    %ne3A_64 = arith.cmpi ne, %rem3A_62, %ne3A_63 : i32
    %lt3A_65 = arith.constant 0 : i32
    %lt3A_66 = arith.cmpi slt, %rem3A_62, %lt3A_65 : i32
    %lt3A_67 = arith.constant 0 : i32
    %lt3A_68 = arith.cmpi slt, %select_n3A_61, %lt3A_67 : i32
    %ne3A_69 = arith.xori %lt3A_66, %lt3A_68 : i1
    %and3A_70 = arith.andi %ne3A_69, %ne3A_64 : i1
    %add3A_71 = arith.addi %rem3A_62, %select_n3A_61 : i32
    %select_n3A_72 = arith.select %and3A_70, %add3A_71, %rem3A_62 : i32
    %mul3A_73 = arith.constant 49152 : i32
    %mul3A_74 = arith.muli %select_n3A_72, %mul3A_73 : i32
    %add3A_75 = arith.addi %mul3A_56, %mul3A_74 : i32
    %dma_start3A = arith.constant 0 : i32
    %dma_start3A_76 = arith.constant 0 : i32
    %dma_start3A_77 = arith.constant 0 : i32
    %dma_start3A_78 = arith.constant 0 : i32
    %dma_start3A_79 = tpu.memref_slice %arg6[%dma_start3A_76, %dma_start3A_77, %dma_start3A_78] : memref<2x1024x32xf32, #tpu.memory_space<vmem>> -> memref<1x1024x32xf32, #tpu.memory_space<vmem>>
    %dma_start3A_80 = tpu.memref_squeeze %dma_start3A_79 : memref<1x1024x32xf32, #tpu.memory_space<vmem>> -> memref<1024x32xf32, #tpu.memory_space<vmem>>
    %dma_start3A_81 = arith.constant 0 : i32
    %dma_start3A_82 = arith.constant 0 : i32
    %dma_start3A_83 = tpu.memref_slice %dma_start3A_80[%dma_start3A_81, %dma_start3A_82] : memref<1024x32xf32, #tpu.memory_space<vmem>> -> memref<128x32xf32, #tpu.memory_space<vmem>>
    %dma_start3A_84 = arith.constant 0 : i32
    %dma_start3A_85 = tpu.memref_slice %arg5[%dma_start3A, %dma_start3A_84] : memref<384x128xi32, #tpu.memory_space<vmem>> -> memref<1x128xi32, #tpu.memory_space<vmem>>
    %dma_start3A_86 = tpu.memref_squeeze %dma_start3A_85 : memref<1x128xi32, #tpu.memory_space<vmem>> -> memref<128xi32, #tpu.memory_space<vmem>>
    %dma_start3A_87 = arith.constant 0 : i32
    %dma_start3A_88 = arith.constant 0 : i32
    %dma_start3A_89 = tpu.memref_slice %arg2[%dma_start3A_87, %dma_start3A_88] : memref<98304x32xf32, #tpu.memory_space<hbm>> -> memref<98304x32xf32, #tpu.memory_space<hbm>>
    tpu.enqueue_indirect_dma source(%dma_start3A_89 : memref<98304x32xf32, #tpu.memory_space<hbm>>) target(%dma_start3A_83 : memref<128x32xf32, #tpu.memory_space<vmem>>) offsets(%dma_start3A_86 : memref<128xi32, #tpu.memory_space<vmem>>) semaphore(%arg7 : memref<!tpu.dma_semaphore, #tpu.memory_space<semaphore_mem>>)
    %dma_start3A_90 = arith.constant 1 : i32
    %dma_start3A_91 = arith.constant 0 : i32
    %dma_start3A_92 = arith.constant 0 : i32
    %dma_start3A_93 = arith.constant 0 : i32
    %dma_start3A_94 = tpu.memref_slice %arg6[%dma_start3A_91, %dma_start3A_92, %dma_start3A_93] : memref<2x1024x32xf32, #tpu.memory_space<vmem>> -> memref<1x1024x32xf32, #tpu.memory_space<vmem>>
    %dma_start3A_95 = tpu.memref_squeeze %dma_start3A_94 : memref<1x1024x32xf32, #tpu.memory_space<vmem>> -> memref<1024x32xf32, #tpu.memory_space<vmem>>
    %dma_start3A_96 = arith.constant 128 : i32
    %dma_start3A_97 = arith.constant 0 : i32
    %dma_start3A_98 = tpu.memref_slice %dma_start3A_95[%dma_start3A_96, %dma_start3A_97] : memref<1024x32xf32, #tpu.memory_space<vmem>> -> memref<128x32xf32, #tpu.memory_space<vmem>>
    %dma_start3A_99 = arith.constant 0 : i32
    %dma_start3A_100 = tpu.memref_slice %arg5[%dma_start3A_90, %dma_start3A_99] : memref<384x128xi32, #tpu.memory_space<vmem>> -> memref<1x128xi32, #tpu.memory_space<vmem>>
    %dma_start3A_101 = tpu.memref_squeeze %dma_start3A_100 : memref<1x128xi32, #tpu.memory_space<vmem>> -> memref<128xi32, #tpu.memory_space<vmem>>
    %dma_start3A_102 = arith.constant 0 : i32
    %dma_start3A_103 = arith.constant 0 : i32
    %dma_start3A_104 = tpu.memref_slice %arg2[%dma_start3A_102, %dma_start3A_103] : memref<98304x32xf32, #tpu.memory_space<hbm>> -> memref<98304x32xf32, #tpu.memory_space<hbm>>
    tpu.enqueue_indirect_dma source(%dma_start3A_104 : memref<98304x32xf32, #tpu.memory_space<hbm>>) target(%dma_start3A_98 : memref<128x32xf32, #tpu.memory_space<vmem>>) offsets(%dma_start3A_101 : memref<128xi32, #tpu.memory_space<vmem>>) semaphore(%arg7 : memref<!tpu.dma_semaphore, #tpu.memory_space<semaphore_mem>>)
    %dma_start3A_105 = arith.constant 2 : i32
    %dma_start3A_106 = arith.constant 0 : i32
    %dma_start3A_107 = arith.constant 0 : i32
    %dma_start3A_108 = arith.constant 0 : i32
    %dma_start3A_109 = tpu.memref_slice %arg6[%dma_start3A_106, %dma_start3A_107, %dma_start3A_108] : memref<2x1024x32xf32, #tpu.memory_space<vmem>> -> memref<1x1024x32xf32, #tpu.memory_space<vmem>>
    %dma_start3A_110 = tpu.memref_squeeze %dma_start3A_109 : memref<1x1024x32xf32, #tpu.memory_space<vmem>> -> memref<1024x32xf32, #tpu.memory_space<vmem>>
    %dma_start3A_111 = arith.constant 256 : i32
    %dma_start3A_112 = arith.constant 0 : i32
    %dma_start3A_113 = tpu.memref_slice %dma_start3A_110[%dma_start3A_111, %dma_start3A_112] : memref<1024x32xf32, #tpu.memory_space<vmem>> -> memref<128x32xf32, #tpu.memory_space<vmem>>
    %dma_start3A_114 = arith.constant 0 : i32
    %dma_start3A_115 = tpu.memref_slice %arg5[%dma_start3A_105, %dma_start3A_114] : memref<384x128xi32, #tpu.memory_space<vmem>> -> memref<1x128xi32, #tpu.memory_space<vmem>>
    %dma_start3A_116 = tpu.memref_squeeze %dma_start3A_115 : memref<1x128xi32, #tpu.memory_space<vmem>> -> memref<128xi32, #tpu.memory_space<vmem>>
    %dma_start3A_117 = arith.constant 0 : i32
    %dma_start3A_118 = arith.constant 0 : i32
    %dma_start3A_119 = tpu.memref_slice %arg2[%dma_start3A_117, %dma_start3A_118] : memref<98304x32xf32, #tpu.memory_space<hbm>> -> memref<98304x32xf32, #tpu.memory_space<hbm>>
    tpu.enqueue_indirect_dma source(%dma_start3A_119 : memref<98304x32xf32, #tpu.memory_space<hbm>>) target(%dma_start3A_113 : memref<128x32xf32, #tpu.memory_space<vmem>>) offsets(%dma_start3A_116 : memref<128xi32, #tpu.memory_space<vmem>>) semaphore(%arg7 : memref<!tpu.dma_semaphore, #tpu.memory_space<semaphore_mem>>)
    %dma_start3A_120 = arith.constant 3 : i32
    %dma_start3A_121 = arith.constant 0 : i32
    %dma_start3A_122 = arith.constant 0 : i32
    %dma_start3A_123 = arith.constant 0 : i32
    %dma_start3A_124 = tpu.memref_slice %arg6[%dma_start3A_121, %dma_start3A_122, %dma_start3A_123] : memref<2x1024x32xf32, #tpu.memory_space<vmem>> -> memref<1x1024x32xf32, #tpu.memory_space<vmem>>
    %dma_start3A_125 = tpu.memref_squeeze %dma_start3A_124 : memref<1x1024x32xf32, #tpu.memory_space<vmem>> -> memref<1024x32xf32, #tpu.memory_space<vmem>>
    %dma_start3A_126 = arith.constant 384 : i32
    %dma_start3A_127 = arith.constant 0 : i32
    %dma_start3A_128 = tpu.memref_slice %dma_start3A_125[%dma_start3A_126, %dma_start3A_127] : memref<1024x32xf32, #tpu.memory_space<vmem>> -> memref<128x32xf32, #tpu.memory_space<vmem>>
    %dma_start3A_129 = arith.constant 0 : i32
    %dma_start3A_130 = tpu.memref_slice %arg5[%dma_start3A_120, %dma_start3A_129] : memref<384x128xi32, #tpu.memory_space<vmem>> -> memref<1x128xi32, #tpu.memory_space<vmem>>
    %dma_start3A_131 = tpu.memref_squeeze %dma_start3A_130 : memref<1x128xi32, #tpu.memory_space<vmem>> -> memref<128xi32, #tpu.memory_space<vmem>>
    %dma_start3A_132 = arith.constant 0 : i32
    %dma_start3A_133 = arith.constant 0 : i32
    %dma_start3A_134 = tpu.memref_slice %arg2[%dma_start3A_132, %dma_start3A_133] : memref<98304x32xf32, #tpu.memory_space<hbm>> -> memref<98304x32xf32, #tpu.memory_space<hbm>>
    tpu.enqueue_indirect_dma source(%dma_start3A_134 : memref<98304x32xf32, #tpu.memory_space<hbm>>) target(%dma_start3A_128 : memref<128x32xf32, #tpu.memory_space<vmem>>) offsets(%dma_start3A_131 : memref<128xi32, #tpu.memory_space<vmem>>) semaphore(%arg7 : memref<!tpu.dma_semaphore, #tpu.memory_space<semaphore_mem>>)
    %dma_start3A_135 = arith.constant 4 : i32
    %dma_start3A_136 = arith.constant 0 : i32
    %dma_start3A_137 = arith.constant 0 : i32
    %dma_start3A_138 = arith.constant 0 : i32
    %dma_start3A_139 = tpu.memref_slice %arg6[%dma_start3A_136, %dma_start3A_137, %dma_start3A_138] : memref<2x1024x32xf32, #tpu.memory_space<vmem>> -> memref<1x1024x32xf32, #tpu.memory_space<vmem>>
    %dma_start3A_140 = tpu.memref_squeeze %dma_start3A_139 : memref<1x1024x32xf32, #tpu.memory_space<vmem>> -> memref<1024x32xf32, #tpu.memory_space<vmem>>
    %dma_start3A_141 = arith.constant 512 : i32
    %dma_start3A_142 = arith.constant 0 : i32
    %dma_start3A_143 = tpu.memref_slice %dma_start3A_140[%dma_start3A_141, %dma_start3A_142] : memref<1024x32xf32, #tpu.memory_space<vmem>> -> memref<128x32xf32, #tpu.memory_space<vmem>>
    %dma_start3A_144 = arith.constant 0 : i32
    %dma_start3A_145 = tpu.memref_slice %arg5[%dma_start3A_135, %dma_start3A_144] : memref<384x128xi32, #tpu.memory_space<vmem>> -> memref<1x128xi32, #tpu.memory_space<vmem>>
    %dma_start3A_146 = tpu.memref_squeeze %dma_start3A_145 : memref<1x128xi32, #tpu.memory_space<vmem>> -> memref<128xi32, #tpu.memory_space<vmem>>
    %dma_start3A_147 = arith.constant 0 : i32
    %dma_start3A_148 = arith.constant 0 : i32
    %dma_start3A_149 = tpu.memref_slice %arg2[%dma_start3A_147, %dma_start3A_148] : memref<98304x32xf32, #tpu.memory_space<hbm>> -> memref<98304x32xf32, #tpu.memory_space<hbm>>
    tpu.enqueue_indirect_dma source(%dma_start3A_149 : memref<98304x32xf32, #tpu.memory_space<hbm>>) target(%dma_start3A_143 : memref<128x32xf32, #tpu.memory_space<vmem>>) offsets(%dma_start3A_146 : memref<128xi32, #tpu.memory_space<vmem>>) semaphore(%arg7 : memref<!tpu.dma_semaphore, #tpu.memory_space<semaphore_mem>>)
    %dma_start3A_150 = arith.constant 5 : i32
    %dma_start3A_151 = arith.constant 0 : i32
    %dma_start3A_152 = arith.constant 0 : i32
    %dma_start3A_153 = arith.constant 0 : i32
    %dma_start3A_154 = tpu.memref_slice %arg6[%dma_start3A_151, %dma_start3A_152, %dma_start3A_153] : memref<2x1024x32xf32, #tpu.memory_space<vmem>> -> memref<1x1024x32xf32, #tpu.memory_space<vmem>>
    %dma_start3A_155 = tpu.memref_squeeze %dma_start3A_154 : memref<1x1024x32xf32, #tpu.memory_space<vmem>> -> memref<1024x32xf32, #tpu.memory_space<vmem>>
    %dma_start3A_156 = arith.constant 640 : i32
    %dma_start3A_157 = arith.constant 0 : i32
    %dma_start3A_158 = tpu.memref_slice %dma_start3A_155[%dma_start3A_156, %dma_start3A_157] : memref<1024x32xf32, #tpu.memory_space<vmem>> -> memref<128x32xf32, #tpu.memory_space<vmem>>
    %dma_start3A_159 = arith.constant 0 : i32
    %dma_start3A_160 = tpu.memref_slice %arg5[%dma_start3A_150, %dma_start3A_159] : memref<384x128xi32, #tpu.memory_space<vmem>> -> memref<1x128xi32, #tpu.memory_space<vmem>>
    %dma_start3A_161 = tpu.memref_squeeze %dma_start3A_160 : memref<1x128xi32, #tpu.memory_space<vmem>> -> memref<128xi32, #tpu.memory_space<vmem>>
    %dma_start3A_162 = arith.constant 0 : i32
    %dma_start3A_163 = arith.constant 0 : i32
    %dma_start3A_164 = tpu.memref_slice %arg2[%dma_start3A_162, %dma_start3A_163] : memref<98304x32xf32, #tpu.memory_space<hbm>> -> memref<98304x32xf32, #tpu.memory_space<hbm>>
    tpu.enqueue_indirect_dma source(%dma_start3A_164 : memref<98304x32xf32, #tpu.memory_space<hbm>>) target(%dma_start3A_158 : memref<128x32xf32, #tpu.memory_space<vmem>>) offsets(%dma_start3A_161 : memref<128xi32, #tpu.memory_space<vmem>>) semaphore(%arg7 : memref<!tpu.dma_semaphore, #tpu.memory_space<semaphore_mem>>)
    %dma_start3A_165 = arith.constant 6 : i32
    %dma_start3A_166 = arith.constant 0 : i32
    %dma_start3A_167 = arith.constant 0 : i32
    %dma_start3A_168 = arith.constant 0 : i32
    %dma_start3A_169 = tpu.memref_slice %arg6[%dma_start3A_166, %dma_start3A_167, %dma_start3A_168] : memref<2x1024x32xf32, #tpu.memory_space<vmem>> -> memref<1x1024x32xf32, #tpu.memory_space<vmem>>
    %dma_start3A_170 = tpu.memref_squeeze %dma_start3A_169 : memref<1x1024x32xf32, #tpu.memory_space<vmem>> -> memref<1024x32xf32, #tpu.memory_space<vmem>>
    %dma_start3A_171 = arith.constant 768 : i32
    %dma_start3A_172 = arith.constant 0 : i32
    %dma_start3A_173 = tpu.memref_slice %dma_start3A_170[%dma_start3A_171, %dma_start3A_172] : memref<1024x32xf32, #tpu.memory_space<vmem>> -> memref<128x32xf32, #tpu.memory_space<vmem>>
    %dma_start3A_174 = arith.constant 0 : i32
    %dma_start3A_175 = tpu.memref_slice %arg5[%dma_start3A_165, %dma_start3A_174] : memref<384x128xi32, #tpu.memory_space<vmem>> -> memref<1x128xi32, #tpu.memory_space<vmem>>
    %dma_start3A_176 = tpu.memref_squeeze %dma_start3A_175 : memref<1x128xi32, #tpu.memory_space<vmem>> -> memref<128xi32, #tpu.memory_space<vmem>>
    %dma_start3A_177 = arith.constant 0 : i32
    %dma_start3A_178 = arith.constant 0 : i32
    %dma_start3A_179 = tpu.memref_slice %arg2[%dma_start3A_177, %dma_start3A_178] : memref<98304x32xf32, #tpu.memory_space<hbm>> -> memref<98304x32xf32, #tpu.memory_space<hbm>>
    tpu.enqueue_indirect_dma source(%dma_start3A_179 : memref<98304x32xf32, #tpu.memory_space<hbm>>) target(%dma_start3A_173 : memref<128x32xf32, #tpu.memory_space<vmem>>) offsets(%dma_start3A_176 : memref<128xi32, #tpu.memory_space<vmem>>) semaphore(%arg7 : memref<!tpu.dma_semaphore, #tpu.memory_space<semaphore_mem>>)
    %dma_start3A_180 = arith.constant 7 : i32
    %dma_start3A_181 = arith.constant 0 : i32
    %dma_start3A_182 = arith.constant 0 : i32
    %dma_start3A_183 = arith.constant 0 : i32
    %dma_start3A_184 = tpu.memref_slice %arg6[%dma_start3A_181, %dma_start3A_182, %dma_start3A_183] : memref<2x1024x32xf32, #tpu.memory_space<vmem>> -> memref<1x1024x32xf32, #tpu.memory_space<vmem>>
    %dma_start3A_185 = tpu.memref_squeeze %dma_start3A_184 : memref<1x1024x32xf32, #tpu.memory_space<vmem>> -> memref<1024x32xf32, #tpu.memory_space<vmem>>
    %dma_start3A_186 = arith.constant 896 : i32
    %dma_start3A_187 = arith.constant 0 : i32
    %dma_start3A_188 = tpu.memref_slice %dma_start3A_185[%dma_start3A_186, %dma_start3A_187] : memref<1024x32xf32, #tpu.memory_space<vmem>> -> memref<128x32xf32, #tpu.memory_space<vmem>>
    %dma_start3A_189 = arith.constant 0 : i32
    %dma_start3A_190 = tpu.memref_slice %arg5[%dma_start3A_180, %dma_start3A_189] : memref<384x128xi32, #tpu.memory_space<vmem>> -> memref<1x128xi32, #tpu.memory_space<vmem>>
    %dma_start3A_191 = tpu.memref_squeeze %dma_start3A_190 : memref<1x128xi32, #tpu.memory_space<vmem>> -> memref<128xi32, #tpu.memory_space<vmem>>
    %dma_start3A_192 = arith.constant 0 : i32
    %dma_start3A_193 = arith.constant 0 : i32
    %dma_start3A_194 = tpu.memref_slice %arg2[%dma_start3A_192, %dma_start3A_193] : memref<98304x32xf32, #tpu.memory_space<hbm>> -> memref<98304x32xf32, #tpu.memory_space<hbm>>
    tpu.enqueue_indirect_dma source(%dma_start3A_194 : memref<98304x32xf32, #tpu.memory_space<hbm>>) target(%dma_start3A_188 : memref<128x32xf32, #tpu.memory_space<vmem>>) offsets(%dma_start3A_191 : memref<128xi32, #tpu.memory_space<vmem>>) semaphore(%arg7 : memref<!tpu.dma_semaphore, #tpu.memory_space<semaphore_mem>>)
    %scan3A = arith.constant 0 : i32
    %scan3A_195 = arith.constant 24 : i32
    %scan3A_196 = arith.addi %scan3A, %scan3A_195 : i32
    %scan3A_197 = arith.constant 1 : i32
    scf.for %scan3A_228 = %scan3A to %scan3A_196 step %scan3A_197  : i32 {
      %mul3A_229 = arith.constant 1 : i32
      %mul3A_230 = arith.muli %scan3A_228, %mul3A_229 : i32
      %add3A_231 = arith.constant 0 : i32
      %add3A_232 = arith.addi %add3A_231, %mul3A_230 : i32
      %mul3A_233 = arith.constant 2 : i32
      %mul3A_234 = arith.muli %mul3A_233, %add3A_232 : i32
      %add3A_235 = arith.constant 0 : i32
      %add3A_236 = arith.addi %mul3A_234, %add3A_235 : i32
      %ge3A = arith.constant 1 : i32
      %ge3A_237 = arith.cmpi sge, %add3A_236, %ge3A : i32
      %convert_element_type3A = arith.extui %ge3A_237 : i1 to i32
      %cond3A = arith.constant 0 : i32
      %cond3A_238 = arith.cmpi ne, %convert_element_type3A, %cond3A : i32
      scf.if %cond3A_238 {
        %sub3A_714 = arith.constant 1 : i32
        %sub3A_715 = arith.subi %add3A_236, %sub3A_714 : i32
        %mul3A_716 = arith.constant 1024 : i32
        %mul3A_717 = arith.muli %sub3A_715, %mul3A_716 : i32
        %add3A_718 = arith.addi %add3A_75, %mul3A_717 : i32
        %mul3A_719 = arith.constant 32 : i32
        %mul3A_720 = arith.muli %select_n3A_54, %mul3A_719 : i32
        %dma_wait3A_721 = arith.constant 1 : i32
        %dma_wait3A_722 = arith.constant 0 : i32
        %dma_wait3A_723 = arith.constant 0 : i32
        %dma_wait3A_724 = tpu.memref_slice %arg6[%dma_wait3A_721, %dma_wait3A_722, %dma_wait3A_723] : memref<2x1024x32xf32, #tpu.memory_space<vmem>> -> memref<1x1024x32xf32, #tpu.memory_space<vmem>>
        %dma_wait3A_725 = tpu.memref_squeeze %dma_wait3A_724 : memref<1x1024x32xf32, #tpu.memory_space<vmem>> -> memref<1024x32xf32, #tpu.memory_space<vmem>>
        %dma_wait3A_726 = tpu.memref_slice %arg4[%add3A_718, %mul3A_720] : memref<393216x128xf32, #tpu.memory_space<hbm>> -> memref<1024x32xf32, #tpu.memory_space<hbm>>
        %dma_wait3A_727 = tpu.memref_slice %arg4[%add3A_718, %mul3A_720] : memref<393216x128xf32, #tpu.memory_space<hbm>> -> memref<1024x32xf32, #tpu.memory_space<hbm>>
        %dma_wait3A_728 = arith.constant 0 : i32
        %dma_wait3A_729 = arith.constant 0 : i32
        %dma_wait3A_730 = tpu.memref_slice %arg6[%dma_wait3A_721, %dma_wait3A_728, %dma_wait3A_729] : memref<2x1024x32xf32, #tpu.memory_space<vmem>> -> memref<1x1024x32xf32, #tpu.memory_space<vmem>>
        %dma_wait3A_731 = tpu.memref_squeeze %dma_wait3A_730 : memref<1x1024x32xf32, #tpu.memory_space<vmem>> -> memref<1024x32xf32, #tpu.memory_space<vmem>>
        tpu.wait_dma2 semaphore(%arg10 : memref<!tpu.dma_semaphore, #tpu.memory_space<semaphore_mem>>) src(%dma_wait3A_731 : memref<1024x32xf32, #tpu.memory_space<vmem>>) dst(%dma_wait3A_727 : memref<1024x32xf32, #tpu.memory_space<hbm>>)
      } else {
      }
      %add3A_239 = arith.constant 1 : i32
      %add3A_240 = arith.addi %add3A_236, %add3A_239 : i32
      %mul3A_241 = arith.constant 8 : i32
      %mul3A_242 = arith.muli %add3A_240, %mul3A_241 : i32
      %add3A_243 = arith.constant 0 : i32
      %add3A_244 = arith.addi %mul3A_242, %add3A_243 : i32
      %dma_start3A_245 = arith.constant 1 : i32
      %dma_start3A_246 = arith.constant 0 : i32
      %dma_start3A_247 = arith.constant 0 : i32
      %dma_start3A_248 = tpu.memref_slice %arg6[%dma_start3A_245, %dma_start3A_246, %dma_start3A_247] : memref<2x1024x32xf32, #tpu.memory_space<vmem>> -> memref<1x1024x32xf32, #tpu.memory_space<vmem>>
      %dma_start3A_249 = tpu.memref_squeeze %dma_start3A_248 : memref<1x1024x32xf32, #tpu.memory_space<vmem>> -> memref<1024x32xf32, #tpu.memory_space<vmem>>
      %dma_start3A_250 = arith.constant 0 : i32
      %dma_start3A_251 = arith.constant 0 : i32
      %dma_start3A_252 = tpu.memref_slice %dma_start3A_249[%dma_start3A_250, %dma_start3A_251] : memref<1024x32xf32, #tpu.memory_space<vmem>> -> memref<128x32xf32, #tpu.memory_space<vmem>>
      %dma_start3A_253 = arith.constant 0 : i32
      %dma_start3A_254 = tpu.memref_slice %arg5[%add3A_244, %dma_start3A_253] : memref<384x128xi32, #tpu.memory_space<vmem>> -> memref<1x128xi32, #tpu.memory_space<vmem>>
      %dma_start3A_255 = tpu.memref_squeeze %dma_start3A_254 : memref<1x128xi32, #tpu.memory_space<vmem>> -> memref<128xi32, #tpu.memory_space<vmem>>
      %dma_start3A_256 = arith.constant 0 : i32
      %dma_start3A_257 = arith.constant 0 : i32
      %dma_start3A_258 = tpu.memref_slice %arg2[%dma_start3A_256, %dma_start3A_257] : memref<98304x32xf32, #tpu.memory_space<hbm>> -> memref<98304x32xf32, #tpu.memory_space<hbm>>
      tpu.enqueue_indirect_dma source(%dma_start3A_258 : memref<98304x32xf32, #tpu.memory_space<hbm>>) target(%dma_start3A_252 : memref<128x32xf32, #tpu.memory_space<vmem>>) offsets(%dma_start3A_255 : memref<128xi32, #tpu.memory_space<vmem>>) semaphore(%arg8 : memref<!tpu.dma_semaphore, #tpu.memory_space<semaphore_mem>>)
      %mul3A_259 = arith.constant 8 : i32
      %mul3A_260 = arith.muli %add3A_240, %mul3A_259 : i32
      %add3A_261 = arith.constant 1 : i32
      %add3A_262 = arith.addi %mul3A_260, %add3A_261 : i32
      %dma_start3A_263 = arith.constant 1 : i32
      %dma_start3A_264 = arith.constant 0 : i32
      %dma_start3A_265 = arith.constant 0 : i32
      %dma_start3A_266 = tpu.memref_slice %arg6[%dma_start3A_263, %dma_start3A_264, %dma_start3A_265] : memref<2x1024x32xf32, #tpu.memory_space<vmem>> -> memref<1x1024x32xf32, #tpu.memory_space<vmem>>
      %dma_start3A_267 = tpu.memref_squeeze %dma_start3A_266 : memref<1x1024x32xf32, #tpu.memory_space<vmem>> -> memref<1024x32xf32, #tpu.memory_space<vmem>>
      %dma_start3A_268 = arith.constant 128 : i32
      %dma_start3A_269 = arith.constant 0 : i32
      %dma_start3A_270 = tpu.memref_slice %dma_start3A_267[%dma_start3A_268, %dma_start3A_269] : memref<1024x32xf32, #tpu.memory_space<vmem>> -> memref<128x32xf32, #tpu.memory_space<vmem>>
      %dma_start3A_271 = arith.constant 0 : i32
      %dma_start3A_272 = tpu.memref_slice %arg5[%add3A_262, %dma_start3A_271] : memref<384x128xi32, #tpu.memory_space<vmem>> -> memref<1x128xi32, #tpu.memory_space<vmem>>
      %dma_start3A_273 = tpu.memref_squeeze %dma_start3A_272 : memref<1x128xi32, #tpu.memory_space<vmem>> -> memref<128xi32, #tpu.memory_space<vmem>>
      %dma_start3A_274 = arith.constant 0 : i32
      %dma_start3A_275 = arith.constant 0 : i32
      %dma_start3A_276 = tpu.memref_slice %arg2[%dma_start3A_274, %dma_start3A_275] : memref<98304x32xf32, #tpu.memory_space<hbm>> -> memref<98304x32xf32, #tpu.memory_space<hbm>>
      tpu.enqueue_indirect_dma source(%dma_start3A_276 : memref<98304x32xf32, #tpu.memory_space<hbm>>) target(%dma_start3A_270 : memref<128x32xf32, #tpu.memory_space<vmem>>) offsets(%dma_start3A_273 : memref<128xi32, #tpu.memory_space<vmem>>) semaphore(%arg8 : memref<!tpu.dma_semaphore, #tpu.memory_space<semaphore_mem>>)
      %mul3A_277 = arith.constant 8 : i32
      %mul3A_278 = arith.muli %add3A_240, %mul3A_277 : i32
      %add3A_279 = arith.constant 2 : i32
      %add3A_280 = arith.addi %mul3A_278, %add3A_279 : i32
      %dma_start3A_281 = arith.constant 1 : i32
      %dma_start3A_282 = arith.constant 0 : i32
      %dma_start3A_283 = arith.constant 0 : i32
      %dma_start3A_284 = tpu.memref_slice %arg6[%dma_start3A_281, %dma_start3A_282, %dma_start3A_283] : memref<2x1024x32xf32, #tpu.memory_space<vmem>> -> memref<1x1024x32xf32, #tpu.memory_space<vmem>>
      %dma_start3A_285 = tpu.memref_squeeze %dma_start3A_284 : memref<1x1024x32xf32, #tpu.memory_space<vmem>> -> memref<1024x32xf32, #tpu.memory_space<vmem>>
      %dma_start3A_286 = arith.constant 256 : i32
      %dma_start3A_287 = arith.constant 0 : i32
      %dma_start3A_288 = tpu.memref_slice %dma_start3A_285[%dma_start3A_286, %dma_start3A_287] : memref<1024x32xf32, #tpu.memory_space<vmem>> -> memref<128x32xf32, #tpu.memory_space<vmem>>
      %dma_start3A_289 = arith.constant 0 : i32
      %dma_start3A_290 = tpu.memref_slice %arg5[%add3A_280, %dma_start3A_289] : memref<384x128xi32, #tpu.memory_space<vmem>> -> memref<1x128xi32, #tpu.memory_space<vmem>>
      %dma_start3A_291 = tpu.memref_squeeze %dma_start3A_290 : memref<1x128xi32, #tpu.memory_space<vmem>> -> memref<128xi32, #tpu.memory_space<vmem>>
      %dma_start3A_292 = arith.constant 0 : i32
      %dma_start3A_293 = arith.constant 0 : i32
      %dma_start3A_294 = tpu.memref_slice %arg2[%dma_start3A_292, %dma_start3A_293] : memref<98304x32xf32, #tpu.memory_space<hbm>> -> memref<98304x32xf32, #tpu.memory_space<hbm>>
      tpu.enqueue_indirect_dma source(%dma_start3A_294 : memref<98304x32xf32, #tpu.memory_space<hbm>>) target(%dma_start3A_288 : memref<128x32xf32, #tpu.memory_space<vmem>>) offsets(%dma_start3A_291 : memref<128xi32, #tpu.memory_space<vmem>>) semaphore(%arg8 : memref<!tpu.dma_semaphore, #tpu.memory_space<semaphore_mem>>)
      %mul3A_295 = arith.constant 8 : i32
      %mul3A_296 = arith.muli %add3A_240, %mul3A_295 : i32
      %add3A_297 = arith.constant 3 : i32
      %add3A_298 = arith.addi %mul3A_296, %add3A_297 : i32
      %dma_start3A_299 = arith.constant 1 : i32
      %dma_start3A_300 = arith.constant 0 : i32
      %dma_start3A_301 = arith.constant 0 : i32
      %dma_start3A_302 = tpu.memref_slice %arg6[%dma_start3A_299, %dma_start3A_300, %dma_start3A_301] : memref<2x1024x32xf32, #tpu.memory_space<vmem>> -> memref<1x1024x32xf32, #tpu.memory_space<vmem>>
      %dma_start3A_303 = tpu.memref_squeeze %dma_start3A_302 : memref<1x1024x32xf32, #tpu.memory_space<vmem>> -> memref<1024x32xf32, #tpu.memory_space<vmem>>
      %dma_start3A_304 = arith.constant 384 : i32
      %dma_start3A_305 = arith.constant 0 : i32
      %dma_start3A_306 = tpu.memref_slice %dma_start3A_303[%dma_start3A_304, %dma_start3A_305] : memref<1024x32xf32, #tpu.memory_space<vmem>> -> memref<128x32xf32, #tpu.memory_space<vmem>>
      %dma_start3A_307 = arith.constant 0 : i32
      %dma_start3A_308 = tpu.memref_slice %arg5[%add3A_298, %dma_start3A_307] : memref<384x128xi32, #tpu.memory_space<vmem>> -> memref<1x128xi32, #tpu.memory_space<vmem>>
      %dma_start3A_309 = tpu.memref_squeeze %dma_start3A_308 : memref<1x128xi32, #tpu.memory_space<vmem>> -> memref<128xi32, #tpu.memory_space<vmem>>
      %dma_start3A_310 = arith.constant 0 : i32
      %dma_start3A_311 = arith.constant 0 : i32
      %dma_start3A_312 = tpu.memref_slice %arg2[%dma_start3A_310, %dma_start3A_311] : memref<98304x32xf32, #tpu.memory_space<hbm>> -> memref<98304x32xf32, #tpu.memory_space<hbm>>
      tpu.enqueue_indirect_dma source(%dma_start3A_312 : memref<98304x32xf32, #tpu.memory_space<hbm>>) target(%dma_start3A_306 : memref<128x32xf32, #tpu.memory_space<vmem>>) offsets(%dma_start3A_309 : memref<128xi32, #tpu.memory_space<vmem>>) semaphore(%arg8 : memref<!tpu.dma_semaphore, #tpu.memory_space<semaphore_mem>>)
      %mul3A_313 = arith.constant 8 : i32
      %mul3A_314 = arith.muli %add3A_240, %mul3A_313 : i32
      %add3A_315 = arith.constant 4 : i32
      %add3A_316 = arith.addi %mul3A_314, %add3A_315 : i32
      %dma_start3A_317 = arith.constant 1 : i32
      %dma_start3A_318 = arith.constant 0 : i32
      %dma_start3A_319 = arith.constant 0 : i32
      %dma_start3A_320 = tpu.memref_slice %arg6[%dma_start3A_317, %dma_start3A_318, %dma_start3A_319] : memref<2x1024x32xf32, #tpu.memory_space<vmem>> -> memref<1x1024x32xf32, #tpu.memory_space<vmem>>
      %dma_start3A_321 = tpu.memref_squeeze %dma_start3A_320 : memref<1x1024x32xf32, #tpu.memory_space<vmem>> -> memref<1024x32xf32, #tpu.memory_space<vmem>>
      %dma_start3A_322 = arith.constant 512 : i32
      %dma_start3A_323 = arith.constant 0 : i32
      %dma_start3A_324 = tpu.memref_slice %dma_start3A_321[%dma_start3A_322, %dma_start3A_323] : memref<1024x32xf32, #tpu.memory_space<vmem>> -> memref<128x32xf32, #tpu.memory_space<vmem>>
      %dma_start3A_325 = arith.constant 0 : i32
      %dma_start3A_326 = tpu.memref_slice %arg5[%add3A_316, %dma_start3A_325] : memref<384x128xi32, #tpu.memory_space<vmem>> -> memref<1x128xi32, #tpu.memory_space<vmem>>
      %dma_start3A_327 = tpu.memref_squeeze %dma_start3A_326 : memref<1x128xi32, #tpu.memory_space<vmem>> -> memref<128xi32, #tpu.memory_space<vmem>>
      %dma_start3A_328 = arith.constant 0 : i32
      %dma_start3A_329 = arith.constant 0 : i32
      %dma_start3A_330 = tpu.memref_slice %arg2[%dma_start3A_328, %dma_start3A_329] : memref<98304x32xf32, #tpu.memory_space<hbm>> -> memref<98304x32xf32, #tpu.memory_space<hbm>>
      tpu.enqueue_indirect_dma source(%dma_start3A_330 : memref<98304x32xf32, #tpu.memory_space<hbm>>) target(%dma_start3A_324 : memref<128x32xf32, #tpu.memory_space<vmem>>) offsets(%dma_start3A_327 : memref<128xi32, #tpu.memory_space<vmem>>) semaphore(%arg8 : memref<!tpu.dma_semaphore, #tpu.memory_space<semaphore_mem>>)
      %mul3A_331 = arith.constant 8 : i32
      %mul3A_332 = arith.muli %add3A_240, %mul3A_331 : i32
      %add3A_333 = arith.constant 5 : i32
      %add3A_334 = arith.addi %mul3A_332, %add3A_333 : i32
      %dma_start3A_335 = arith.constant 1 : i32
      %dma_start3A_336 = arith.constant 0 : i32
      %dma_start3A_337 = arith.constant 0 : i32
      %dma_start3A_338 = tpu.memref_slice %arg6[%dma_start3A_335, %dma_start3A_336, %dma_start3A_337] : memref<2x1024x32xf32, #tpu.memory_space<vmem>> -> memref<1x1024x32xf32, #tpu.memory_space<vmem>>
      %dma_start3A_339 = tpu.memref_squeeze %dma_start3A_338 : memref<1x1024x32xf32, #tpu.memory_space<vmem>> -> memref<1024x32xf32, #tpu.memory_space<vmem>>
      %dma_start3A_340 = arith.constant 640 : i32
      %dma_start3A_341 = arith.constant 0 : i32
      %dma_start3A_342 = tpu.memref_slice %dma_start3A_339[%dma_start3A_340, %dma_start3A_341] : memref<1024x32xf32, #tpu.memory_space<vmem>> -> memref<128x32xf32, #tpu.memory_space<vmem>>
      %dma_start3A_343 = arith.constant 0 : i32
      %dma_start3A_344 = tpu.memref_slice %arg5[%add3A_334, %dma_start3A_343] : memref<384x128xi32, #tpu.memory_space<vmem>> -> memref<1x128xi32, #tpu.memory_space<vmem>>
      %dma_start3A_345 = tpu.memref_squeeze %dma_start3A_344 : memref<1x128xi32, #tpu.memory_space<vmem>> -> memref<128xi32, #tpu.memory_space<vmem>>
      %dma_start3A_346 = arith.constant 0 : i32
      %dma_start3A_347 = arith.constant 0 : i32
      %dma_start3A_348 = tpu.memref_slice %arg2[%dma_start3A_346, %dma_start3A_347] : memref<98304x32xf32, #tpu.memory_space<hbm>> -> memref<98304x32xf32, #tpu.memory_space<hbm>>
      tpu.enqueue_indirect_dma source(%dma_start3A_348 : memref<98304x32xf32, #tpu.memory_space<hbm>>) target(%dma_start3A_342 : memref<128x32xf32, #tpu.memory_space<vmem>>) offsets(%dma_start3A_345 : memref<128xi32, #tpu.memory_space<vmem>>) semaphore(%arg8 : memref<!tpu.dma_semaphore, #tpu.memory_space<semaphore_mem>>)
      %mul3A_349 = arith.constant 8 : i32
      %mul3A_350 = arith.muli %add3A_240, %mul3A_349 : i32
      %add3A_351 = arith.constant 6 : i32
      %add3A_352 = arith.addi %mul3A_350, %add3A_351 : i32
      %dma_start3A_353 = arith.constant 1 : i32
      %dma_start3A_354 = arith.constant 0 : i32
      %dma_start3A_355 = arith.constant 0 : i32
      %dma_start3A_356 = tpu.memref_slice %arg6[%dma_start3A_353, %dma_start3A_354, %dma_start3A_355] : memref<2x1024x32xf32, #tpu.memory_space<vmem>> -> memref<1x1024x32xf32, #tpu.memory_space<vmem>>
      %dma_start3A_357 = tpu.memref_squeeze %dma_start3A_356 : memref<1x1024x32xf32, #tpu.memory_space<vmem>> -> memref<1024x32xf32, #tpu.memory_space<vmem>>
      %dma_start3A_358 = arith.constant 768 : i32
      %dma_start3A_359 = arith.constant 0 : i32
      %dma_start3A_360 = tpu.memref_slice %dma_start3A_357[%dma_start3A_358, %dma_start3A_359] : memref<1024x32xf32, #tpu.memory_space<vmem>> -> memref<128x32xf32, #tpu.memory_space<vmem>>
      %dma_start3A_361 = arith.constant 0 : i32
      %dma_start3A_362 = tpu.memref_slice %arg5[%add3A_352, %dma_start3A_361] : memref<384x128xi32, #tpu.memory_space<vmem>> -> memref<1x128xi32, #tpu.memory_space<vmem>>
      %dma_start3A_363 = tpu.memref_squeeze %dma_start3A_362 : memref<1x128xi32, #tpu.memory_space<vmem>> -> memref<128xi32, #tpu.memory_space<vmem>>
      %dma_start3A_364 = arith.constant 0 : i32
      %dma_start3A_365 = arith.constant 0 : i32
      %dma_start3A_366 = tpu.memref_slice %arg2[%dma_start3A_364, %dma_start3A_365] : memref<98304x32xf32, #tpu.memory_space<hbm>> -> memref<98304x32xf32, #tpu.memory_space<hbm>>
      tpu.enqueue_indirect_dma source(%dma_start3A_366 : memref<98304x32xf32, #tpu.memory_space<hbm>>) target(%dma_start3A_360 : memref<128x32xf32, #tpu.memory_space<vmem>>) offsets(%dma_start3A_363 : memref<128xi32, #tpu.memory_space<vmem>>) semaphore(%arg8 : memref<!tpu.dma_semaphore, #tpu.memory_space<semaphore_mem>>)
      %mul3A_367 = arith.constant 8 : i32
      %mul3A_368 = arith.muli %add3A_240, %mul3A_367 : i32
      %add3A_369 = arith.constant 7 : i32
      %add3A_370 = arith.addi %mul3A_368, %add3A_369 : i32
      %dma_start3A_371 = arith.constant 1 : i32
      %dma_start3A_372 = arith.constant 0 : i32
      %dma_start3A_373 = arith.constant 0 : i32
      %dma_start3A_374 = tpu.memref_slice %arg6[%dma_start3A_371, %dma_start3A_372, %dma_start3A_373] : memref<2x1024x32xf32, #tpu.memory_space<vmem>> -> memref<1x1024x32xf32, #tpu.memory_space<vmem>>
      %dma_start3A_375 = tpu.memref_squeeze %dma_start3A_374 : memref<1x1024x32xf32, #tpu.memory_space<vmem>> -> memref<1024x32xf32, #tpu.memory_space<vmem>>
      %dma_start3A_376 = arith.constant 896 : i32
      %dma_start3A_377 = arith.constant 0 : i32
      %dma_start3A_378 = tpu.memref_slice %dma_start3A_375[%dma_start3A_376, %dma_start3A_377] : memref<1024x32xf32, #tpu.memory_space<vmem>> -> memref<128x32xf32, #tpu.memory_space<vmem>>
      %dma_start3A_379 = arith.constant 0 : i32
      %dma_start3A_380 = tpu.memref_slice %arg5[%add3A_370, %dma_start3A_379] : memref<384x128xi32, #tpu.memory_space<vmem>> -> memref<1x128xi32, #tpu.memory_space<vmem>>
      %dma_start3A_381 = tpu.memref_squeeze %dma_start3A_380 : memref<1x128xi32, #tpu.memory_space<vmem>> -> memref<128xi32, #tpu.memory_space<vmem>>
      %dma_start3A_382 = arith.constant 0 : i32
      %dma_start3A_383 = arith.constant 0 : i32
      %dma_start3A_384 = tpu.memref_slice %arg2[%dma_start3A_382, %dma_start3A_383] : memref<98304x32xf32, #tpu.memory_space<hbm>> -> memref<98304x32xf32, #tpu.memory_space<hbm>>
      tpu.enqueue_indirect_dma source(%dma_start3A_384 : memref<98304x32xf32, #tpu.memory_space<hbm>>) target(%dma_start3A_378 : memref<128x32xf32, #tpu.memory_space<vmem>>) offsets(%dma_start3A_381 : memref<128xi32, #tpu.memory_space<vmem>>) semaphore(%arg8 : memref<!tpu.dma_semaphore, #tpu.memory_space<semaphore_mem>>)
      %mul3A_385 = arith.constant 8 : i32
      %mul3A_386 = arith.muli %add3A_236, %mul3A_385 : i32
      %add3A_387 = arith.constant 0 : i32
      %add3A_388 = arith.addi %mul3A_386, %add3A_387 : i32
      %dma_wait3A_389 = arith.constant 0 : i32
      %dma_wait3A_390 = arith.constant 0 : i32
      %dma_wait3A_391 = arith.constant 0 : i32
      %dma_wait3A_392 = tpu.memref_slice %arg6[%dma_wait3A_389, %dma_wait3A_390, %dma_wait3A_391] : memref<2x1024x32xf32, #tpu.memory_space<vmem>> -> memref<1x1024x32xf32, #tpu.memory_space<vmem>>
      %dma_wait3A_393 = tpu.memref_squeeze %dma_wait3A_392 : memref<1x1024x32xf32, #tpu.memory_space<vmem>> -> memref<1024x32xf32, #tpu.memory_space<vmem>>
      %dma_wait3A_394 = arith.constant 0 : i32
      %dma_wait3A_395 = arith.constant 0 : i32
      %dma_wait3A_396 = tpu.memref_slice %dma_wait3A_393[%dma_wait3A_394, %dma_wait3A_395] : memref<1024x32xf32, #tpu.memory_space<vmem>> -> memref<128x32xf32, #tpu.memory_space<vmem>>
      %dma_wait3A_397 = arith.constant 0 : i32
      %dma_wait3A_398 = tpu.memref_slice %arg5[%add3A_388, %dma_wait3A_397] : memref<384x128xi32, #tpu.memory_space<vmem>> -> memref<1x128xi32, #tpu.memory_space<vmem>>
      %dma_wait3A_399 = tpu.memref_squeeze %dma_wait3A_398 : memref<1x128xi32, #tpu.memory_space<vmem>> -> memref<128xi32, #tpu.memory_space<vmem>>
      %dma_wait3A_400 = arith.constant 0 : i32
      %dma_wait3A_401 = arith.constant 0 : i32
      %dma_wait3A_402 = tpu.memref_slice %arg2[%dma_wait3A_400, %dma_wait3A_401] : memref<98304x32xf32, #tpu.memory_space<hbm>> -> memref<98304x32xf32, #tpu.memory_space<hbm>>
      tpu.wait_indirect_dma semaphore(%arg7 : memref<!tpu.dma_semaphore, #tpu.memory_space<semaphore_mem>>) src(%dma_wait3A_402 : memref<98304x32xf32, #tpu.memory_space<hbm>>) dst(%dma_wait3A_396 : memref<128x32xf32, #tpu.memory_space<vmem>>)
      %mul3A_403 = arith.constant 8 : i32
      %mul3A_404 = arith.muli %add3A_236, %mul3A_403 : i32
      %add3A_405 = arith.constant 1 : i32
      %add3A_406 = arith.addi %mul3A_404, %add3A_405 : i32
      %dma_wait3A_407 = arith.constant 0 : i32
      %dma_wait3A_408 = arith.constant 0 : i32
      %dma_wait3A_409 = arith.constant 0 : i32
      %dma_wait3A_410 = tpu.memref_slice %arg6[%dma_wait3A_407, %dma_wait3A_408, %dma_wait3A_409] : memref<2x1024x32xf32, #tpu.memory_space<vmem>> -> memref<1x1024x32xf32, #tpu.memory_space<vmem>>
      %dma_wait3A_411 = tpu.memref_squeeze %dma_wait3A_410 : memref<1x1024x32xf32, #tpu.memory_space<vmem>> -> memref<1024x32xf32, #tpu.memory_space<vmem>>
      %dma_wait3A_412 = arith.constant 128 : i32
      %dma_wait3A_413 = arith.constant 0 : i32
      %dma_wait3A_414 = tpu.memref_slice %dma_wait3A_411[%dma_wait3A_412, %dma_wait3A_413] : memref<1024x32xf32, #tpu.memory_space<vmem>> -> memref<128x32xf32, #tpu.memory_space<vmem>>
      %dma_wait3A_415 = arith.constant 0 : i32
      %dma_wait3A_416 = tpu.memref_slice %arg5[%add3A_406, %dma_wait3A_415] : memref<384x128xi32, #tpu.memory_space<vmem>> -> memref<1x128xi32, #tpu.memory_space<vmem>>
      %dma_wait3A_417 = tpu.memref_squeeze %dma_wait3A_416 : memref<1x128xi32, #tpu.memory_space<vmem>> -> memref<128xi32, #tpu.memory_space<vmem>>
      %dma_wait3A_418 = arith.constant 0 : i32
      %dma_wait3A_419 = arith.constant 0 : i32
      %dma_wait3A_420 = tpu.memref_slice %arg2[%dma_wait3A_418, %dma_wait3A_419] : memref<98304x32xf32, #tpu.memory_space<hbm>> -> memref<98304x32xf32, #tpu.memory_space<hbm>>
      tpu.wait_indirect_dma semaphore(%arg7 : memref<!tpu.dma_semaphore, #tpu.memory_space<semaphore_mem>>) src(%dma_wait3A_420 : memref<98304x32xf32, #tpu.memory_space<hbm>>) dst(%dma_wait3A_414 : memref<128x32xf32, #tpu.memory_space<vmem>>)
      %mul3A_421 = arith.constant 8 : i32
      %mul3A_422 = arith.muli %add3A_236, %mul3A_421 : i32
      %add3A_423 = arith.constant 2 : i32
      %add3A_424 = arith.addi %mul3A_422, %add3A_423 : i32
      %dma_wait3A_425 = arith.constant 0 : i32
      %dma_wait3A_426 = arith.constant 0 : i32
      %dma_wait3A_427 = arith.constant 0 : i32
      %dma_wait3A_428 = tpu.memref_slice %arg6[%dma_wait3A_425, %dma_wait3A_426, %dma_wait3A_427] : memref<2x1024x32xf32, #tpu.memory_space<vmem>> -> memref<1x1024x32xf32, #tpu.memory_space<vmem>>
      %dma_wait3A_429 = tpu.memref_squeeze %dma_wait3A_428 : memref<1x1024x32xf32, #tpu.memory_space<vmem>> -> memref<1024x32xf32, #tpu.memory_space<vmem>>
      %dma_wait3A_430 = arith.constant 256 : i32
      %dma_wait3A_431 = arith.constant 0 : i32
      %dma_wait3A_432 = tpu.memref_slice %dma_wait3A_429[%dma_wait3A_430, %dma_wait3A_431] : memref<1024x32xf32, #tpu.memory_space<vmem>> -> memref<128x32xf32, #tpu.memory_space<vmem>>
      %dma_wait3A_433 = arith.constant 0 : i32
      %dma_wait3A_434 = tpu.memref_slice %arg5[%add3A_424, %dma_wait3A_433] : memref<384x128xi32, #tpu.memory_space<vmem>> -> memref<1x128xi32, #tpu.memory_space<vmem>>
      %dma_wait3A_435 = tpu.memref_squeeze %dma_wait3A_434 : memref<1x128xi32, #tpu.memory_space<vmem>> -> memref<128xi32, #tpu.memory_space<vmem>>
      %dma_wait3A_436 = arith.constant 0 : i32
      %dma_wait3A_437 = arith.constant 0 : i32
      %dma_wait3A_438 = tpu.memref_slice %arg2[%dma_wait3A_436, %dma_wait3A_437] : memref<98304x32xf32, #tpu.memory_space<hbm>> -> memref<98304x32xf32, #tpu.memory_space<hbm>>
      tpu.wait_indirect_dma semaphore(%arg7 : memref<!tpu.dma_semaphore, #tpu.memory_space<semaphore_mem>>) src(%dma_wait3A_438 : memref<98304x32xf32, #tpu.memory_space<hbm>>) dst(%dma_wait3A_432 : memref<128x32xf32, #tpu.memory_space<vmem>>)
      %mul3A_439 = arith.constant 8 : i32
      %mul3A_440 = arith.muli %add3A_236, %mul3A_439 : i32
      %add3A_441 = arith.constant 3 : i32
      %add3A_442 = arith.addi %mul3A_440, %add3A_441 : i32
      %dma_wait3A_443 = arith.constant 0 : i32
      %dma_wait3A_444 = arith.constant 0 : i32
      %dma_wait3A_445 = arith.constant 0 : i32
      %dma_wait3A_446 = tpu.memref_slice %arg6[%dma_wait3A_443, %dma_wait3A_444, %dma_wait3A_445] : memref<2x1024x32xf32, #tpu.memory_space<vmem>> -> memref<1x1024x32xf32, #tpu.memory_space<vmem>>
      %dma_wait3A_447 = tpu.memref_squeeze %dma_wait3A_446 : memref<1x1024x32xf32, #tpu.memory_space<vmem>> -> memref<1024x32xf32, #tpu.memory_space<vmem>>
      %dma_wait3A_448 = arith.constant 384 : i32
      %dma_wait3A_449 = arith.constant 0 : i32
      %dma_wait3A_450 = tpu.memref_slice %dma_wait3A_447[%dma_wait3A_448, %dma_wait3A_449] : memref<1024x32xf32, #tpu.memory_space<vmem>> -> memref<128x32xf32, #tpu.memory_space<vmem>>
      %dma_wait3A_451 = arith.constant 0 : i32
      %dma_wait3A_452 = tpu.memref_slice %arg5[%add3A_442, %dma_wait3A_451] : memref<384x128xi32, #tpu.memory_space<vmem>> -> memref<1x128xi32, #tpu.memory_space<vmem>>
      %dma_wait3A_453 = tpu.memref_squeeze %dma_wait3A_452 : memref<1x128xi32, #tpu.memory_space<vmem>> -> memref<128xi32, #tpu.memory_space<vmem>>
      %dma_wait3A_454 = arith.constant 0 : i32
      %dma_wait3A_455 = arith.constant 0 : i32
      %dma_wait3A_456 = tpu.memref_slice %arg2[%dma_wait3A_454, %dma_wait3A_455] : memref<98304x32xf32, #tpu.memory_space<hbm>> -> memref<98304x32xf32, #tpu.memory_space<hbm>>
      tpu.wait_indirect_dma semaphore(%arg7 : memref<!tpu.dma_semaphore, #tpu.memory_space<semaphore_mem>>) src(%dma_wait3A_456 : memref<98304x32xf32, #tpu.memory_space<hbm>>) dst(%dma_wait3A_450 : memref<128x32xf32, #tpu.memory_space<vmem>>)
      %mul3A_457 = arith.constant 8 : i32
      %mul3A_458 = arith.muli %add3A_236, %mul3A_457 : i32
      %add3A_459 = arith.constant 4 : i32
      %add3A_460 = arith.addi %mul3A_458, %add3A_459 : i32
      %dma_wait3A_461 = arith.constant 0 : i32
      %dma_wait3A_462 = arith.constant 0 : i32
      %dma_wait3A_463 = arith.constant 0 : i32
      %dma_wait3A_464 = tpu.memref_slice %arg6[%dma_wait3A_461, %dma_wait3A_462, %dma_wait3A_463] : memref<2x1024x32xf32, #tpu.memory_space<vmem>> -> memref<1x1024x32xf32, #tpu.memory_space<vmem>>
      %dma_wait3A_465 = tpu.memref_squeeze %dma_wait3A_464 : memref<1x1024x32xf32, #tpu.memory_space<vmem>> -> memref<1024x32xf32, #tpu.memory_space<vmem>>
      %dma_wait3A_466 = arith.constant 512 : i32
      %dma_wait3A_467 = arith.constant 0 : i32
      %dma_wait3A_468 = tpu.memref_slice %dma_wait3A_465[%dma_wait3A_466, %dma_wait3A_467] : memref<1024x32xf32, #tpu.memory_space<vmem>> -> memref<128x32xf32, #tpu.memory_space<vmem>>
      %dma_wait3A_469 = arith.constant 0 : i32
      %dma_wait3A_470 = tpu.memref_slice %arg5[%add3A_460, %dma_wait3A_469] : memref<384x128xi32, #tpu.memory_space<vmem>> -> memref<1x128xi32, #tpu.memory_space<vmem>>
      %dma_wait3A_471 = tpu.memref_squeeze %dma_wait3A_470 : memref<1x128xi32, #tpu.memory_space<vmem>> -> memref<128xi32, #tpu.memory_space<vmem>>
      %dma_wait3A_472 = arith.constant 0 : i32
      %dma_wait3A_473 = arith.constant 0 : i32
      %dma_wait3A_474 = tpu.memref_slice %arg2[%dma_wait3A_472, %dma_wait3A_473] : memref<98304x32xf32, #tpu.memory_space<hbm>> -> memref<98304x32xf32, #tpu.memory_space<hbm>>
      tpu.wait_indirect_dma semaphore(%arg7 : memref<!tpu.dma_semaphore, #tpu.memory_space<semaphore_mem>>) src(%dma_wait3A_474 : memref<98304x32xf32, #tpu.memory_space<hbm>>) dst(%dma_wait3A_468 : memref<128x32xf32, #tpu.memory_space<vmem>>)
      %mul3A_475 = arith.constant 8 : i32
      %mul3A_476 = arith.muli %add3A_236, %mul3A_475 : i32
      %add3A_477 = arith.constant 5 : i32
      %add3A_478 = arith.addi %mul3A_476, %add3A_477 : i32
      %dma_wait3A_479 = arith.constant 0 : i32
      %dma_wait3A_480 = arith.constant 0 : i32
      %dma_wait3A_481 = arith.constant 0 : i32
      %dma_wait3A_482 = tpu.memref_slice %arg6[%dma_wait3A_479, %dma_wait3A_480, %dma_wait3A_481] : memref<2x1024x32xf32, #tpu.memory_space<vmem>> -> memref<1x1024x32xf32, #tpu.memory_space<vmem>>
      %dma_wait3A_483 = tpu.memref_squeeze %dma_wait3A_482 : memref<1x1024x32xf32, #tpu.memory_space<vmem>> -> memref<1024x32xf32, #tpu.memory_space<vmem>>
      %dma_wait3A_484 = arith.constant 640 : i32
      %dma_wait3A_485 = arith.constant 0 : i32
      %dma_wait3A_486 = tpu.memref_slice %dma_wait3A_483[%dma_wait3A_484, %dma_wait3A_485] : memref<1024x32xf32, #tpu.memory_space<vmem>> -> memref<128x32xf32, #tpu.memory_space<vmem>>
      %dma_wait3A_487 = arith.constant 0 : i32
      %dma_wait3A_488 = tpu.memref_slice %arg5[%add3A_478, %dma_wait3A_487] : memref<384x128xi32, #tpu.memory_space<vmem>> -> memref<1x128xi32, #tpu.memory_space<vmem>>
      %dma_wait3A_489 = tpu.memref_squeeze %dma_wait3A_488 : memref<1x128xi32, #tpu.memory_space<vmem>> -> memref<128xi32, #tpu.memory_space<vmem>>
      %dma_wait3A_490 = arith.constant 0 : i32
      %dma_wait3A_491 = arith.constant 0 : i32
      %dma_wait3A_492 = tpu.memref_slice %arg2[%dma_wait3A_490, %dma_wait3A_491] : memref<98304x32xf32, #tpu.memory_space<hbm>> -> memref<98304x32xf32, #tpu.memory_space<hbm>>
      tpu.wait_indirect_dma semaphore(%arg7 : memref<!tpu.dma_semaphore, #tpu.memory_space<semaphore_mem>>) src(%dma_wait3A_492 : memref<98304x32xf32, #tpu.memory_space<hbm>>) dst(%dma_wait3A_486 : memref<128x32xf32, #tpu.memory_space<vmem>>)
      %mul3A_493 = arith.constant 8 : i32
      %mul3A_494 = arith.muli %add3A_236, %mul3A_493 : i32
      %add3A_495 = arith.constant 6 : i32
      %add3A_496 = arith.addi %mul3A_494, %add3A_495 : i32
      %dma_wait3A_497 = arith.constant 0 : i32
      %dma_wait3A_498 = arith.constant 0 : i32
      %dma_wait3A_499 = arith.constant 0 : i32
      %dma_wait3A_500 = tpu.memref_slice %arg6[%dma_wait3A_497, %dma_wait3A_498, %dma_wait3A_499] : memref<2x1024x32xf32, #tpu.memory_space<vmem>> -> memref<1x1024x32xf32, #tpu.memory_space<vmem>>
      %dma_wait3A_501 = tpu.memref_squeeze %dma_wait3A_500 : memref<1x1024x32xf32, #tpu.memory_space<vmem>> -> memref<1024x32xf32, #tpu.memory_space<vmem>>
      %dma_wait3A_502 = arith.constant 768 : i32
      %dma_wait3A_503 = arith.constant 0 : i32
      %dma_wait3A_504 = tpu.memref_slice %dma_wait3A_501[%dma_wait3A_502, %dma_wait3A_503] : memref<1024x32xf32, #tpu.memory_space<vmem>> -> memref<128x32xf32, #tpu.memory_space<vmem>>
      %dma_wait3A_505 = arith.constant 0 : i32
      %dma_wait3A_506 = tpu.memref_slice %arg5[%add3A_496, %dma_wait3A_505] : memref<384x128xi32, #tpu.memory_space<vmem>> -> memref<1x128xi32, #tpu.memory_space<vmem>>
      %dma_wait3A_507 = tpu.memref_squeeze %dma_wait3A_506 : memref<1x128xi32, #tpu.memory_space<vmem>> -> memref<128xi32, #tpu.memory_space<vmem>>
      %dma_wait3A_508 = arith.constant 0 : i32
      %dma_wait3A_509 = arith.constant 0 : i32
      %dma_wait3A_510 = tpu.memref_slice %arg2[%dma_wait3A_508, %dma_wait3A_509] : memref<98304x32xf32, #tpu.memory_space<hbm>> -> memref<98304x32xf32, #tpu.memory_space<hbm>>
      tpu.wait_indirect_dma semaphore(%arg7 : memref<!tpu.dma_semaphore, #tpu.memory_space<semaphore_mem>>) src(%dma_wait3A_510 : memref<98304x32xf32, #tpu.memory_space<hbm>>) dst(%dma_wait3A_504 : memref<128x32xf32, #tpu.memory_space<vmem>>)
      %mul3A_511 = arith.constant 8 : i32
      %mul3A_512 = arith.muli %add3A_236, %mul3A_511 : i32
      %add3A_513 = arith.constant 7 : i32
      %add3A_514 = arith.addi %mul3A_512, %add3A_513 : i32
      %dma_wait3A_515 = arith.constant 0 : i32
      %dma_wait3A_516 = arith.constant 0 : i32
      %dma_wait3A_517 = arith.constant 0 : i32
      %dma_wait3A_518 = tpu.memref_slice %arg6[%dma_wait3A_515, %dma_wait3A_516, %dma_wait3A_517] : memref<2x1024x32xf32, #tpu.memory_space<vmem>> -> memref<1x1024x32xf32, #tpu.memory_space<vmem>>
      %dma_wait3A_519 = tpu.memref_squeeze %dma_wait3A_518 : memref<1x1024x32xf32, #tpu.memory_space<vmem>> -> memref<1024x32xf32, #tpu.memory_space<vmem>>
      %dma_wait3A_520 = arith.constant 896 : i32
      %dma_wait3A_521 = arith.constant 0 : i32
      %dma_wait3A_522 = tpu.memref_slice %dma_wait3A_519[%dma_wait3A_520, %dma_wait3A_521] : memref<1024x32xf32, #tpu.memory_space<vmem>> -> memref<128x32xf32, #tpu.memory_space<vmem>>
      %dma_wait3A_523 = arith.constant 0 : i32
      %dma_wait3A_524 = tpu.memref_slice %arg5[%add3A_514, %dma_wait3A_523] : memref<384x128xi32, #tpu.memory_space<vmem>> -> memref<1x128xi32, #tpu.memory_space<vmem>>
      %dma_wait3A_525 = tpu.memref_squeeze %dma_wait3A_524 : memref<1x128xi32, #tpu.memory_space<vmem>> -> memref<128xi32, #tpu.memory_space<vmem>>
      %dma_wait3A_526 = arith.constant 0 : i32
      %dma_wait3A_527 = arith.constant 0 : i32
      %dma_wait3A_528 = tpu.memref_slice %arg2[%dma_wait3A_526, %dma_wait3A_527] : memref<98304x32xf32, #tpu.memory_space<hbm>> -> memref<98304x32xf32, #tpu.memory_space<hbm>>
      tpu.wait_indirect_dma semaphore(%arg7 : memref<!tpu.dma_semaphore, #tpu.memory_space<semaphore_mem>>) src(%dma_wait3A_528 : memref<98304x32xf32, #tpu.memory_space<hbm>>) dst(%dma_wait3A_522 : memref<128x32xf32, #tpu.memory_space<vmem>>)
      %mul3A_529 = arith.constant 1024 : i32
      %mul3A_530 = arith.muli %add3A_236, %mul3A_529 : i32
      %add3A_531 = arith.addi %add3A_75, %mul3A_530 : i32
      %mul3A_532 = arith.constant 32 : i32
      %mul3A_533 = arith.muli %select_n3A_54, %mul3A_532 : i32
      %dma_start3A_534 = arith.constant 0 : i32
      %dma_start3A_535 = arith.constant 0 : i32
      %dma_start3A_536 = arith.constant 0 : i32
      %dma_start3A_537 = tpu.memref_slice %arg6[%dma_start3A_534, %dma_start3A_535, %dma_start3A_536] : memref<2x1024x32xf32, #tpu.memory_space<vmem>> -> memref<1x1024x32xf32, #tpu.memory_space<vmem>>
      %dma_start3A_538 = tpu.memref_squeeze %dma_start3A_537 : memref<1x1024x32xf32, #tpu.memory_space<vmem>> -> memref<1024x32xf32, #tpu.memory_space<vmem>>
      %dma_start3A_539 = tpu.memref_slice %arg4[%add3A_531, %mul3A_533] : memref<393216x128xf32, #tpu.memory_space<hbm>> -> memref<1024x32xf32, #tpu.memory_space<hbm>>
      %dma_start3A_540 = tpu.memref_slice %arg4[%add3A_531, %mul3A_533] : memref<393216x128xf32, #tpu.memory_space<hbm>> -> memref<1024x32xf32, #tpu.memory_space<hbm>>
      %dma_start3A_541 = arith.constant 0 : i32
      %dma_start3A_542 = arith.constant 0 : i32
      %dma_start3A_543 = tpu.memref_slice %arg6[%dma_start3A_534, %dma_start3A_541, %dma_start3A_542] : memref<2x1024x32xf32, #tpu.memory_space<vmem>> -> memref<1x1024x32xf32, #tpu.memory_space<vmem>>
      %dma_start3A_544 = tpu.memref_squeeze %dma_start3A_543 : memref<1x1024x32xf32, #tpu.memory_space<vmem>> -> memref<1024x32xf32, #tpu.memory_space<vmem>>
      tpu.enqueue_dma source(%dma_start3A_544 : memref<1024x32xf32, #tpu.memory_space<vmem>>) target(%dma_start3A_540 : memref<1024x32xf32, #tpu.memory_space<hbm>>) target_semaphore(%arg9 : memref<!tpu.dma_semaphore, #tpu.memory_space<semaphore_mem>>)
      %mul3A_545 = arith.constant 2 : i32
      %mul3A_546 = arith.muli %mul3A_545, %add3A_232 : i32
      %add3A_547 = arith.constant 1 : i32
      %add3A_548 = arith.addi %mul3A_546, %add3A_547 : i32
      %lt3A_549 = arith.constant 23 : i32
      %lt3A_550 = arith.cmpi slt, %add3A_232, %lt3A_549 : i32
      %convert_element_type3A_551 = arith.extui %lt3A_550 : i1 to i32
      %cond3A_552 = arith.constant 0 : i32
      %cond3A_553 = arith.cmpi ne, %convert_element_type3A_551, %cond3A_552 : i32
      scf.if %cond3A_553 {
        %ge3A_714 = arith.constant 1 : i32
        %ge3A_715 = arith.cmpi sge, %add3A_548, %ge3A_714 : i32
        %convert_element_type3A_716 = arith.extui %ge3A_715 : i1 to i32
        %cond3A_717 = arith.constant 0 : i32
        %cond3A_718 = arith.cmpi ne, %convert_element_type3A_716, %cond3A_717 : i32
        scf.if %cond3A_718 {
          %sub3A_865 = arith.constant 1 : i32
          %sub3A_866 = arith.subi %add3A_548, %sub3A_865 : i32
          %mul3A_867 = arith.constant 1024 : i32
          %mul3A_868 = arith.muli %sub3A_866, %mul3A_867 : i32
          %add3A_869 = arith.addi %add3A_75, %mul3A_868 : i32
          %mul3A_870 = arith.constant 32 : i32
          %mul3A_871 = arith.muli %select_n3A_54, %mul3A_870 : i32
          %dma_wait3A_872 = arith.constant 0 : i32
          %dma_wait3A_873 = arith.constant 0 : i32
          %dma_wait3A_874 = arith.constant 0 : i32
          %dma_wait3A_875 = tpu.memref_slice %arg6[%dma_wait3A_872, %dma_wait3A_873, %dma_wait3A_874] : memref<2x1024x32xf32, #tpu.memory_space<vmem>> -> memref<1x1024x32xf32, #tpu.memory_space<vmem>>
          %dma_wait3A_876 = tpu.memref_squeeze %dma_wait3A_875 : memref<1x1024x32xf32, #tpu.memory_space<vmem>> -> memref<1024x32xf32, #tpu.memory_space<vmem>>
          %dma_wait3A_877 = tpu.memref_slice %arg4[%add3A_869, %mul3A_871] : memref<393216x128xf32, #tpu.memory_space<hbm>> -> memref<1024x32xf32, #tpu.memory_space<hbm>>
          %dma_wait3A_878 = tpu.memref_slice %arg4[%add3A_869, %mul3A_871] : memref<393216x128xf32, #tpu.memory_space<hbm>> -> memref<1024x32xf32, #tpu.memory_space<hbm>>
          %dma_wait3A_879 = arith.constant 0 : i32
          %dma_wait3A_880 = arith.constant 0 : i32
          %dma_wait3A_881 = tpu.memref_slice %arg6[%dma_wait3A_872, %dma_wait3A_879, %dma_wait3A_880] : memref<2x1024x32xf32, #tpu.memory_space<vmem>> -> memref<1x1024x32xf32, #tpu.memory_space<vmem>>
          %dma_wait3A_882 = tpu.memref_squeeze %dma_wait3A_881 : memref<1x1024x32xf32, #tpu.memory_space<vmem>> -> memref<1024x32xf32, #tpu.memory_space<vmem>>
          tpu.wait_dma2 semaphore(%arg9 : memref<!tpu.dma_semaphore, #tpu.memory_space<semaphore_mem>>) src(%dma_wait3A_882 : memref<1024x32xf32, #tpu.memory_space<vmem>>) dst(%dma_wait3A_878 : memref<1024x32xf32, #tpu.memory_space<hbm>>)
        } else {
        }
        %add3A_719 = arith.constant 1 : i32
        %add3A_720 = arith.addi %add3A_548, %add3A_719 : i32
        %mul3A_721 = arith.constant 8 : i32
        %mul3A_722 = arith.muli %add3A_720, %mul3A_721 : i32
        %add3A_723 = arith.constant 0 : i32
        %add3A_724 = arith.addi %mul3A_722, %add3A_723 : i32
        %dma_start3A_725 = arith.constant 0 : i32
        %dma_start3A_726 = arith.constant 0 : i32
        %dma_start3A_727 = arith.constant 0 : i32
        %dma_start3A_728 = tpu.memref_slice %arg6[%dma_start3A_725, %dma_start3A_726, %dma_start3A_727] : memref<2x1024x32xf32, #tpu.memory_space<vmem>> -> memref<1x1024x32xf32, #tpu.memory_space<vmem>>
        %dma_start3A_729 = tpu.memref_squeeze %dma_start3A_728 : memref<1x1024x32xf32, #tpu.memory_space<vmem>> -> memref<1024x32xf32, #tpu.memory_space<vmem>>
        %dma_start3A_730 = arith.constant 0 : i32
        %dma_start3A_731 = arith.constant 0 : i32
        %dma_start3A_732 = tpu.memref_slice %dma_start3A_729[%dma_start3A_730, %dma_start3A_731] : memref<1024x32xf32, #tpu.memory_space<vmem>> -> memref<128x32xf32, #tpu.memory_space<vmem>>
        %dma_start3A_733 = arith.constant 0 : i32
        %dma_start3A_734 = tpu.memref_slice %arg5[%add3A_724, %dma_start3A_733] : memref<384x128xi32, #tpu.memory_space<vmem>> -> memref<1x128xi32, #tpu.memory_space<vmem>>
        %dma_start3A_735 = tpu.memref_squeeze %dma_start3A_734 : memref<1x128xi32, #tpu.memory_space<vmem>> -> memref<128xi32, #tpu.memory_space<vmem>>
        %dma_start3A_736 = arith.constant 0 : i32
        %dma_start3A_737 = arith.constant 0 : i32
        %dma_start3A_738 = tpu.memref_slice %arg2[%dma_start3A_736, %dma_start3A_737] : memref<98304x32xf32, #tpu.memory_space<hbm>> -> memref<98304x32xf32, #tpu.memory_space<hbm>>
        tpu.enqueue_indirect_dma source(%dma_start3A_738 : memref<98304x32xf32, #tpu.memory_space<hbm>>) target(%dma_start3A_732 : memref<128x32xf32, #tpu.memory_space<vmem>>) offsets(%dma_start3A_735 : memref<128xi32, #tpu.memory_space<vmem>>) semaphore(%arg7 : memref<!tpu.dma_semaphore, #tpu.memory_space<semaphore_mem>>)
        %mul3A_739 = arith.constant 8 : i32
        %mul3A_740 = arith.muli %add3A_720, %mul3A_739 : i32
        %add3A_741 = arith.constant 1 : i32
        %add3A_742 = arith.addi %mul3A_740, %add3A_741 : i32
        %dma_start3A_743 = arith.constant 0 : i32
        %dma_start3A_744 = arith.constant 0 : i32
        %dma_start3A_745 = arith.constant 0 : i32
        %dma_start3A_746 = tpu.memref_slice %arg6[%dma_start3A_743, %dma_start3A_744, %dma_start3A_745] : memref<2x1024x32xf32, #tpu.memory_space<vmem>> -> memref<1x1024x32xf32, #tpu.memory_space<vmem>>
        %dma_start3A_747 = tpu.memref_squeeze %dma_start3A_746 : memref<1x1024x32xf32, #tpu.memory_space<vmem>> -> memref<1024x32xf32, #tpu.memory_space<vmem>>
        %dma_start3A_748 = arith.constant 128 : i32
        %dma_start3A_749 = arith.constant 0 : i32
        %dma_start3A_750 = tpu.memref_slice %dma_start3A_747[%dma_start3A_748, %dma_start3A_749] : memref<1024x32xf32, #tpu.memory_space<vmem>> -> memref<128x32xf32, #tpu.memory_space<vmem>>
        %dma_start3A_751 = arith.constant 0 : i32
        %dma_start3A_752 = tpu.memref_slice %arg5[%add3A_742, %dma_start3A_751] : memref<384x128xi32, #tpu.memory_space<vmem>> -> memref<1x128xi32, #tpu.memory_space<vmem>>
        %dma_start3A_753 = tpu.memref_squeeze %dma_start3A_752 : memref<1x128xi32, #tpu.memory_space<vmem>> -> memref<128xi32, #tpu.memory_space<vmem>>
        %dma_start3A_754 = arith.constant 0 : i32
        %dma_start3A_755 = arith.constant 0 : i32
        %dma_start3A_756 = tpu.memref_slice %arg2[%dma_start3A_754, %dma_start3A_755] : memref<98304x32xf32, #tpu.memory_space<hbm>> -> memref<98304x32xf32, #tpu.memory_space<hbm>>
        tpu.enqueue_indirect_dma source(%dma_start3A_756 : memref<98304x32xf32, #tpu.memory_space<hbm>>) target(%dma_start3A_750 : memref<128x32xf32, #tpu.memory_space<vmem>>) offsets(%dma_start3A_753 : memref<128xi32, #tpu.memory_space<vmem>>) semaphore(%arg7 : memref<!tpu.dma_semaphore, #tpu.memory_space<semaphore_mem>>)
        %mul3A_757 = arith.constant 8 : i32
        %mul3A_758 = arith.muli %add3A_720, %mul3A_757 : i32
        %add3A_759 = arith.constant 2 : i32
        %add3A_760 = arith.addi %mul3A_758, %add3A_759 : i32
        %dma_start3A_761 = arith.constant 0 : i32
        %dma_start3A_762 = arith.constant 0 : i32
        %dma_start3A_763 = arith.constant 0 : i32
        %dma_start3A_764 = tpu.memref_slice %arg6[%dma_start3A_761, %dma_start3A_762, %dma_start3A_763] : memref<2x1024x32xf32, #tpu.memory_space<vmem>> -> memref<1x1024x32xf32, #tpu.memory_space<vmem>>
        %dma_start3A_765 = tpu.memref_squeeze %dma_start3A_764 : memref<1x1024x32xf32, #tpu.memory_space<vmem>> -> memref<1024x32xf32, #tpu.memory_space<vmem>>
        %dma_start3A_766 = arith.constant 256 : i32
        %dma_start3A_767 = arith.constant 0 : i32
        %dma_start3A_768 = tpu.memref_slice %dma_start3A_765[%dma_start3A_766, %dma_start3A_767] : memref<1024x32xf32, #tpu.memory_space<vmem>> -> memref<128x32xf32, #tpu.memory_space<vmem>>
        %dma_start3A_769 = arith.constant 0 : i32
        %dma_start3A_770 = tpu.memref_slice %arg5[%add3A_760, %dma_start3A_769] : memref<384x128xi32, #tpu.memory_space<vmem>> -> memref<1x128xi32, #tpu.memory_space<vmem>>
        %dma_start3A_771 = tpu.memref_squeeze %dma_start3A_770 : memref<1x128xi32, #tpu.memory_space<vmem>> -> memref<128xi32, #tpu.memory_space<vmem>>
        %dma_start3A_772 = arith.constant 0 : i32
        %dma_start3A_773 = arith.constant 0 : i32
        %dma_start3A_774 = tpu.memref_slice %arg2[%dma_start3A_772, %dma_start3A_773] : memref<98304x32xf32, #tpu.memory_space<hbm>> -> memref<98304x32xf32, #tpu.memory_space<hbm>>
        tpu.enqueue_indirect_dma source(%dma_start3A_774 : memref<98304x32xf32, #tpu.memory_space<hbm>>) target(%dma_start3A_768 : memref<128x32xf32, #tpu.memory_space<vmem>>) offsets(%dma_start3A_771 : memref<128xi32, #tpu.memory_space<vmem>>) semaphore(%arg7 : memref<!tpu.dma_semaphore, #tpu.memory_space<semaphore_mem>>)
        %mul3A_775 = arith.constant 8 : i32
        %mul3A_776 = arith.muli %add3A_720, %mul3A_775 : i32
        %add3A_777 = arith.constant 3 : i32
        %add3A_778 = arith.addi %mul3A_776, %add3A_777 : i32
        %dma_start3A_779 = arith.constant 0 : i32
        %dma_start3A_780 = arith.constant 0 : i32
        %dma_start3A_781 = arith.constant 0 : i32
        %dma_start3A_782 = tpu.memref_slice %arg6[%dma_start3A_779, %dma_start3A_780, %dma_start3A_781] : memref<2x1024x32xf32, #tpu.memory_space<vmem>> -> memref<1x1024x32xf32, #tpu.memory_space<vmem>>
        %dma_start3A_783 = tpu.memref_squeeze %dma_start3A_782 : memref<1x1024x32xf32, #tpu.memory_space<vmem>> -> memref<1024x32xf32, #tpu.memory_space<vmem>>
        %dma_start3A_784 = arith.constant 384 : i32
        %dma_start3A_785 = arith.constant 0 : i32
        %dma_start3A_786 = tpu.memref_slice %dma_start3A_783[%dma_start3A_784, %dma_start3A_785] : memref<1024x32xf32, #tpu.memory_space<vmem>> -> memref<128x32xf32, #tpu.memory_space<vmem>>
        %dma_start3A_787 = arith.constant 0 : i32
        %dma_start3A_788 = tpu.memref_slice %arg5[%add3A_778, %dma_start3A_787] : memref<384x128xi32, #tpu.memory_space<vmem>> -> memref<1x128xi32, #tpu.memory_space<vmem>>
        %dma_start3A_789 = tpu.memref_squeeze %dma_start3A_788 : memref<1x128xi32, #tpu.memory_space<vmem>> -> memref<128xi32, #tpu.memory_space<vmem>>
        %dma_start3A_790 = arith.constant 0 : i32
        %dma_start3A_791 = arith.constant 0 : i32
        %dma_start3A_792 = tpu.memref_slice %arg2[%dma_start3A_790, %dma_start3A_791] : memref<98304x32xf32, #tpu.memory_space<hbm>> -> memref<98304x32xf32, #tpu.memory_space<hbm>>
        tpu.enqueue_indirect_dma source(%dma_start3A_792 : memref<98304x32xf32, #tpu.memory_space<hbm>>) target(%dma_start3A_786 : memref<128x32xf32, #tpu.memory_space<vmem>>) offsets(%dma_start3A_789 : memref<128xi32, #tpu.memory_space<vmem>>) semaphore(%arg7 : memref<!tpu.dma_semaphore, #tpu.memory_space<semaphore_mem>>)
        %mul3A_793 = arith.constant 8 : i32
        %mul3A_794 = arith.muli %add3A_720, %mul3A_793 : i32
        %add3A_795 = arith.constant 4 : i32
        %add3A_796 = arith.addi %mul3A_794, %add3A_795 : i32
        %dma_start3A_797 = arith.constant 0 : i32
        %dma_start3A_798 = arith.constant 0 : i32
        %dma_start3A_799 = arith.constant 0 : i32
        %dma_start3A_800 = tpu.memref_slice %arg6[%dma_start3A_797, %dma_start3A_798, %dma_start3A_799] : memref<2x1024x32xf32, #tpu.memory_space<vmem>> -> memref<1x1024x32xf32, #tpu.memory_space<vmem>>
        %dma_start3A_801 = tpu.memref_squeeze %dma_start3A_800 : memref<1x1024x32xf32, #tpu.memory_space<vmem>> -> memref<1024x32xf32, #tpu.memory_space<vmem>>
        %dma_start3A_802 = arith.constant 512 : i32
        %dma_start3A_803 = arith.constant 0 : i32
        %dma_start3A_804 = tpu.memref_slice %dma_start3A_801[%dma_start3A_802, %dma_start3A_803] : memref<1024x32xf32, #tpu.memory_space<vmem>> -> memref<128x32xf32, #tpu.memory_space<vmem>>
        %dma_start3A_805 = arith.constant 0 : i32
        %dma_start3A_806 = tpu.memref_slice %arg5[%add3A_796, %dma_start3A_805] : memref<384x128xi32, #tpu.memory_space<vmem>> -> memref<1x128xi32, #tpu.memory_space<vmem>>
        %dma_start3A_807 = tpu.memref_squeeze %dma_start3A_806 : memref<1x128xi32, #tpu.memory_space<vmem>> -> memref<128xi32, #tpu.memory_space<vmem>>
        %dma_start3A_808 = arith.constant 0 : i32
        %dma_start3A_809 = arith.constant 0 : i32
        %dma_start3A_810 = tpu.memref_slice %arg2[%dma_start3A_808, %dma_start3A_809] : memref<98304x32xf32, #tpu.memory_space<hbm>> -> memref<98304x32xf32, #tpu.memory_space<hbm>>
        tpu.enqueue_indirect_dma source(%dma_start3A_810 : memref<98304x32xf32, #tpu.memory_space<hbm>>) target(%dma_start3A_804 : memref<128x32xf32, #tpu.memory_space<vmem>>) offsets(%dma_start3A_807 : memref<128xi32, #tpu.memory_space<vmem>>) semaphore(%arg7 : memref<!tpu.dma_semaphore, #tpu.memory_space<semaphore_mem>>)
        %mul3A_811 = arith.constant 8 : i32
        %mul3A_812 = arith.muli %add3A_720, %mul3A_811 : i32
        %add3A_813 = arith.constant 5 : i32
        %add3A_814 = arith.addi %mul3A_812, %add3A_813 : i32
        %dma_start3A_815 = arith.constant 0 : i32
        %dma_start3A_816 = arith.constant 0 : i32
        %dma_start3A_817 = arith.constant 0 : i32
        %dma_start3A_818 = tpu.memref_slice %arg6[%dma_start3A_815, %dma_start3A_816, %dma_start3A_817] : memref<2x1024x32xf32, #tpu.memory_space<vmem>> -> memref<1x1024x32xf32, #tpu.memory_space<vmem>>
        %dma_start3A_819 = tpu.memref_squeeze %dma_start3A_818 : memref<1x1024x32xf32, #tpu.memory_space<vmem>> -> memref<1024x32xf32, #tpu.memory_space<vmem>>
        %dma_start3A_820 = arith.constant 640 : i32
        %dma_start3A_821 = arith.constant 0 : i32
        %dma_start3A_822 = tpu.memref_slice %dma_start3A_819[%dma_start3A_820, %dma_start3A_821] : memref<1024x32xf32, #tpu.memory_space<vmem>> -> memref<128x32xf32, #tpu.memory_space<vmem>>
        %dma_start3A_823 = arith.constant 0 : i32
        %dma_start3A_824 = tpu.memref_slice %arg5[%add3A_814, %dma_start3A_823] : memref<384x128xi32, #tpu.memory_space<vmem>> -> memref<1x128xi32, #tpu.memory_space<vmem>>
        %dma_start3A_825 = tpu.memref_squeeze %dma_start3A_824 : memref<1x128xi32, #tpu.memory_space<vmem>> -> memref<128xi32, #tpu.memory_space<vmem>>
        %dma_start3A_826 = arith.constant 0 : i32
        %dma_start3A_827 = arith.constant 0 : i32
        %dma_start3A_828 = tpu.memref_slice %arg2[%dma_start3A_826, %dma_start3A_827] : memref<98304x32xf32, #tpu.memory_space<hbm>> -> memref<98304x32xf32, #tpu.memory_space<hbm>>
        tpu.enqueue_indirect_dma source(%dma_start3A_828 : memref<98304x32xf32, #tpu.memory_space<hbm>>) target(%dma_start3A_822 : memref<128x32xf32, #tpu.memory_space<vmem>>) offsets(%dma_start3A_825 : memref<128xi32, #tpu.memory_space<vmem>>) semaphore(%arg7 : memref<!tpu.dma_semaphore, #tpu.memory_space<semaphore_mem>>)
        %mul3A_829 = arith.constant 8 : i32
        %mul3A_830 = arith.muli %add3A_720, %mul3A_829 : i32
        %add3A_831 = arith.constant 6 : i32
        %add3A_832 = arith.addi %mul3A_830, %add3A_831 : i32
        %dma_start3A_833 = arith.constant 0 : i32
        %dma_start3A_834 = arith.constant 0 : i32
        %dma_start3A_835 = arith.constant 0 : i32
        %dma_start3A_836 = tpu.memref_slice %arg6[%dma_start3A_833, %dma_start3A_834, %dma_start3A_835] : memref<2x1024x32xf32, #tpu.memory_space<vmem>> -> memref<1x1024x32xf32, #tpu.memory_space<vmem>>
        %dma_start3A_837 = tpu.memref_squeeze %dma_start3A_836 : memref<1x1024x32xf32, #tpu.memory_space<vmem>> -> memref<1024x32xf32, #tpu.memory_space<vmem>>
        %dma_start3A_838 = arith.constant 768 : i32
        %dma_start3A_839 = arith.constant 0 : i32
        %dma_start3A_840 = tpu.memref_slice %dma_start3A_837[%dma_start3A_838, %dma_start3A_839] : memref<1024x32xf32, #tpu.memory_space<vmem>> -> memref<128x32xf32, #tpu.memory_space<vmem>>
        %dma_start3A_841 = arith.constant 0 : i32
        %dma_start3A_842 = tpu.memref_slice %arg5[%add3A_832, %dma_start3A_841] : memref<384x128xi32, #tpu.memory_space<vmem>> -> memref<1x128xi32, #tpu.memory_space<vmem>>
        %dma_start3A_843 = tpu.memref_squeeze %dma_start3A_842 : memref<1x128xi32, #tpu.memory_space<vmem>> -> memref<128xi32, #tpu.memory_space<vmem>>
        %dma_start3A_844 = arith.constant 0 : i32
        %dma_start3A_845 = arith.constant 0 : i32
        %dma_start3A_846 = tpu.memref_slice %arg2[%dma_start3A_844, %dma_start3A_845] : memref<98304x32xf32, #tpu.memory_space<hbm>> -> memref<98304x32xf32, #tpu.memory_space<hbm>>
        tpu.enqueue_indirect_dma source(%dma_start3A_846 : memref<98304x32xf32, #tpu.memory_space<hbm>>) target(%dma_start3A_840 : memref<128x32xf32, #tpu.memory_space<vmem>>) offsets(%dma_start3A_843 : memref<128xi32, #tpu.memory_space<vmem>>) semaphore(%arg7 : memref<!tpu.dma_semaphore, #tpu.memory_space<semaphore_mem>>)
        %mul3A_847 = arith.constant 8 : i32
        %mul3A_848 = arith.muli %add3A_720, %mul3A_847 : i32
        %add3A_849 = arith.constant 7 : i32
        %add3A_850 = arith.addi %mul3A_848, %add3A_849 : i32
        %dma_start3A_851 = arith.constant 0 : i32
        %dma_start3A_852 = arith.constant 0 : i32
        %dma_start3A_853 = arith.constant 0 : i32
        %dma_start3A_854 = tpu.memref_slice %arg6[%dma_start3A_851, %dma_start3A_852, %dma_start3A_853] : memref<2x1024x32xf32, #tpu.memory_space<vmem>> -> memref<1x1024x32xf32, #tpu.memory_space<vmem>>
        %dma_start3A_855 = tpu.memref_squeeze %dma_start3A_854 : memref<1x1024x32xf32, #tpu.memory_space<vmem>> -> memref<1024x32xf32, #tpu.memory_space<vmem>>
        %dma_start3A_856 = arith.constant 896 : i32
        %dma_start3A_857 = arith.constant 0 : i32
        %dma_start3A_858 = tpu.memref_slice %dma_start3A_855[%dma_start3A_856, %dma_start3A_857] : memref<1024x32xf32, #tpu.memory_space<vmem>> -> memref<128x32xf32, #tpu.memory_space<vmem>>
        %dma_start3A_859 = arith.constant 0 : i32
        %dma_start3A_860 = tpu.memref_slice %arg5[%add3A_850, %dma_start3A_859] : memref<384x128xi32, #tpu.memory_space<vmem>> -> memref<1x128xi32, #tpu.memory_space<vmem>>
        %dma_start3A_861 = tpu.memref_squeeze %dma_start3A_860 : memref<1x128xi32, #tpu.memory_space<vmem>> -> memref<128xi32, #tpu.memory_space<vmem>>
        %dma_start3A_862 = arith.constant 0 : i32
        %dma_start3A_863 = arith.constant 0 : i32
        %dma_start3A_864 = tpu.memref_slice %arg2[%dma_start3A_862, %dma_start3A_863] : memref<98304x32xf32, #tpu.memory_space<hbm>> -> memref<98304x32xf32, #tpu.memory_space<hbm>>
        tpu.enqueue_indirect_dma source(%dma_start3A_864 : memref<98304x32xf32, #tpu.memory_space<hbm>>) target(%dma_start3A_858 : memref<128x32xf32, #tpu.memory_space<vmem>>) offsets(%dma_start3A_861 : memref<128xi32, #tpu.memory_space<vmem>>) semaphore(%arg7 : memref<!tpu.dma_semaphore, #tpu.memory_space<semaphore_mem>>)
      } else {
      }
      %mul3A_554 = arith.constant 8 : i32
      %mul3A_555 = arith.muli %add3A_548, %mul3A_554 : i32
      %add3A_556 = arith.constant 0 : i32
      %add3A_557 = arith.addi %mul3A_555, %add3A_556 : i32
      %dma_wait3A_558 = arith.constant 1 : i32
      %dma_wait3A_559 = arith.constant 0 : i32
      %dma_wait3A_560 = arith.constant 0 : i32
      %dma_wait3A_561 = tpu.memref_slice %arg6[%dma_wait3A_558, %dma_wait3A_559, %dma_wait3A_560] : memref<2x1024x32xf32, #tpu.memory_space<vmem>> -> memref<1x1024x32xf32, #tpu.memory_space<vmem>>
      %dma_wait3A_562 = tpu.memref_squeeze %dma_wait3A_561 : memref<1x1024x32xf32, #tpu.memory_space<vmem>> -> memref<1024x32xf32, #tpu.memory_space<vmem>>
      %dma_wait3A_563 = arith.constant 0 : i32
      %dma_wait3A_564 = arith.constant 0 : i32
      %dma_wait3A_565 = tpu.memref_slice %dma_wait3A_562[%dma_wait3A_563, %dma_wait3A_564] : memref<1024x32xf32, #tpu.memory_space<vmem>> -> memref<128x32xf32, #tpu.memory_space<vmem>>
      %dma_wait3A_566 = arith.constant 0 : i32
      %dma_wait3A_567 = tpu.memref_slice %arg5[%add3A_557, %dma_wait3A_566] : memref<384x128xi32, #tpu.memory_space<vmem>> -> memref<1x128xi32, #tpu.memory_space<vmem>>
      %dma_wait3A_568 = tpu.memref_squeeze %dma_wait3A_567 : memref<1x128xi32, #tpu.memory_space<vmem>> -> memref<128xi32, #tpu.memory_space<vmem>>
      %dma_wait3A_569 = arith.constant 0 : i32
      %dma_wait3A_570 = arith.constant 0 : i32
      %dma_wait3A_571 = tpu.memref_slice %arg2[%dma_wait3A_569, %dma_wait3A_570] : memref<98304x32xf32, #tpu.memory_space<hbm>> -> memref<98304x32xf32, #tpu.memory_space<hbm>>
      tpu.wait_indirect_dma semaphore(%arg8 : memref<!tpu.dma_semaphore, #tpu.memory_space<semaphore_mem>>) src(%dma_wait3A_571 : memref<98304x32xf32, #tpu.memory_space<hbm>>) dst(%dma_wait3A_565 : memref<128x32xf32, #tpu.memory_space<vmem>>)
      %mul3A_572 = arith.constant 8 : i32
      %mul3A_573 = arith.muli %add3A_548, %mul3A_572 : i32
      %add3A_574 = arith.constant 1 : i32
      %add3A_575 = arith.addi %mul3A_573, %add3A_574 : i32
      %dma_wait3A_576 = arith.constant 1 : i32
      %dma_wait3A_577 = arith.constant 0 : i32
      %dma_wait3A_578 = arith.constant 0 : i32
      %dma_wait3A_579 = tpu.memref_slice %arg6[%dma_wait3A_576, %dma_wait3A_577, %dma_wait3A_578] : memref<2x1024x32xf32, #tpu.memory_space<vmem>> -> memref<1x1024x32xf32, #tpu.memory_space<vmem>>
      %dma_wait3A_580 = tpu.memref_squeeze %dma_wait3A_579 : memref<1x1024x32xf32, #tpu.memory_space<vmem>> -> memref<1024x32xf32, #tpu.memory_space<vmem>>
      %dma_wait3A_581 = arith.constant 128 : i32
      %dma_wait3A_582 = arith.constant 0 : i32
      %dma_wait3A_583 = tpu.memref_slice %dma_wait3A_580[%dma_wait3A_581, %dma_wait3A_582] : memref<1024x32xf32, #tpu.memory_space<vmem>> -> memref<128x32xf32, #tpu.memory_space<vmem>>
      %dma_wait3A_584 = arith.constant 0 : i32
      %dma_wait3A_585 = tpu.memref_slice %arg5[%add3A_575, %dma_wait3A_584] : memref<384x128xi32, #tpu.memory_space<vmem>> -> memref<1x128xi32, #tpu.memory_space<vmem>>
      %dma_wait3A_586 = tpu.memref_squeeze %dma_wait3A_585 : memref<1x128xi32, #tpu.memory_space<vmem>> -> memref<128xi32, #tpu.memory_space<vmem>>
      %dma_wait3A_587 = arith.constant 0 : i32
      %dma_wait3A_588 = arith.constant 0 : i32
      %dma_wait3A_589 = tpu.memref_slice %arg2[%dma_wait3A_587, %dma_wait3A_588] : memref<98304x32xf32, #tpu.memory_space<hbm>> -> memref<98304x32xf32, #tpu.memory_space<hbm>>
      tpu.wait_indirect_dma semaphore(%arg8 : memref<!tpu.dma_semaphore, #tpu.memory_space<semaphore_mem>>) src(%dma_wait3A_589 : memref<98304x32xf32, #tpu.memory_space<hbm>>) dst(%dma_wait3A_583 : memref<128x32xf32, #tpu.memory_space<vmem>>)
      %mul3A_590 = arith.constant 8 : i32
      %mul3A_591 = arith.muli %add3A_548, %mul3A_590 : i32
      %add3A_592 = arith.constant 2 : i32
      %add3A_593 = arith.addi %mul3A_591, %add3A_592 : i32
      %dma_wait3A_594 = arith.constant 1 : i32
      %dma_wait3A_595 = arith.constant 0 : i32
      %dma_wait3A_596 = arith.constant 0 : i32
      %dma_wait3A_597 = tpu.memref_slice %arg6[%dma_wait3A_594, %dma_wait3A_595, %dma_wait3A_596] : memref<2x1024x32xf32, #tpu.memory_space<vmem>> -> memref<1x1024x32xf32, #tpu.memory_space<vmem>>
      %dma_wait3A_598 = tpu.memref_squeeze %dma_wait3A_597 : memref<1x1024x32xf32, #tpu.memory_space<vmem>> -> memref<1024x32xf32, #tpu.memory_space<vmem>>
      %dma_wait3A_599 = arith.constant 256 : i32
      %dma_wait3A_600 = arith.constant 0 : i32
      %dma_wait3A_601 = tpu.memref_slice %dma_wait3A_598[%dma_wait3A_599, %dma_wait3A_600] : memref<1024x32xf32, #tpu.memory_space<vmem>> -> memref<128x32xf32, #tpu.memory_space<vmem>>
      %dma_wait3A_602 = arith.constant 0 : i32
      %dma_wait3A_603 = tpu.memref_slice %arg5[%add3A_593, %dma_wait3A_602] : memref<384x128xi32, #tpu.memory_space<vmem>> -> memref<1x128xi32, #tpu.memory_space<vmem>>
      %dma_wait3A_604 = tpu.memref_squeeze %dma_wait3A_603 : memref<1x128xi32, #tpu.memory_space<vmem>> -> memref<128xi32, #tpu.memory_space<vmem>>
      %dma_wait3A_605 = arith.constant 0 : i32
      %dma_wait3A_606 = arith.constant 0 : i32
      %dma_wait3A_607 = tpu.memref_slice %arg2[%dma_wait3A_605, %dma_wait3A_606] : memref<98304x32xf32, #tpu.memory_space<hbm>> -> memref<98304x32xf32, #tpu.memory_space<hbm>>
      tpu.wait_indirect_dma semaphore(%arg8 : memref<!tpu.dma_semaphore, #tpu.memory_space<semaphore_mem>>) src(%dma_wait3A_607 : memref<98304x32xf32, #tpu.memory_space<hbm>>) dst(%dma_wait3A_601 : memref<128x32xf32, #tpu.memory_space<vmem>>)
      %mul3A_608 = arith.constant 8 : i32
      %mul3A_609 = arith.muli %add3A_548, %mul3A_608 : i32
      %add3A_610 = arith.constant 3 : i32
      %add3A_611 = arith.addi %mul3A_609, %add3A_610 : i32
      %dma_wait3A_612 = arith.constant 1 : i32
      %dma_wait3A_613 = arith.constant 0 : i32
      %dma_wait3A_614 = arith.constant 0 : i32
      %dma_wait3A_615 = tpu.memref_slice %arg6[%dma_wait3A_612, %dma_wait3A_613, %dma_wait3A_614] : memref<2x1024x32xf32, #tpu.memory_space<vmem>> -> memref<1x1024x32xf32, #tpu.memory_space<vmem>>
      %dma_wait3A_616 = tpu.memref_squeeze %dma_wait3A_615 : memref<1x1024x32xf32, #tpu.memory_space<vmem>> -> memref<1024x32xf32, #tpu.memory_space<vmem>>
      %dma_wait3A_617 = arith.constant 384 : i32
      %dma_wait3A_618 = arith.constant 0 : i32
      %dma_wait3A_619 = tpu.memref_slice %dma_wait3A_616[%dma_wait3A_617, %dma_wait3A_618] : memref<1024x32xf32, #tpu.memory_space<vmem>> -> memref<128x32xf32, #tpu.memory_space<vmem>>
      %dma_wait3A_620 = arith.constant 0 : i32
      %dma_wait3A_621 = tpu.memref_slice %arg5[%add3A_611, %dma_wait3A_620] : memref<384x128xi32, #tpu.memory_space<vmem>> -> memref<1x128xi32, #tpu.memory_space<vmem>>
      %dma_wait3A_622 = tpu.memref_squeeze %dma_wait3A_621 : memref<1x128xi32, #tpu.memory_space<vmem>> -> memref<128xi32, #tpu.memory_space<vmem>>
      %dma_wait3A_623 = arith.constant 0 : i32
      %dma_wait3A_624 = arith.constant 0 : i32
      %dma_wait3A_625 = tpu.memref_slice %arg2[%dma_wait3A_623, %dma_wait3A_624] : memref<98304x32xf32, #tpu.memory_space<hbm>> -> memref<98304x32xf32, #tpu.memory_space<hbm>>
      tpu.wait_indirect_dma semaphore(%arg8 : memref<!tpu.dma_semaphore, #tpu.memory_space<semaphore_mem>>) src(%dma_wait3A_625 : memref<98304x32xf32, #tpu.memory_space<hbm>>) dst(%dma_wait3A_619 : memref<128x32xf32, #tpu.memory_space<vmem>>)
      %mul3A_626 = arith.constant 8 : i32
      %mul3A_627 = arith.muli %add3A_548, %mul3A_626 : i32
      %add3A_628 = arith.constant 4 : i32
      %add3A_629 = arith.addi %mul3A_627, %add3A_628 : i32
      %dma_wait3A_630 = arith.constant 1 : i32
      %dma_wait3A_631 = arith.constant 0 : i32
      %dma_wait3A_632 = arith.constant 0 : i32
      %dma_wait3A_633 = tpu.memref_slice %arg6[%dma_wait3A_630, %dma_wait3A_631, %dma_wait3A_632] : memref<2x1024x32xf32, #tpu.memory_space<vmem>> -> memref<1x1024x32xf32, #tpu.memory_space<vmem>>
      %dma_wait3A_634 = tpu.memref_squeeze %dma_wait3A_633 : memref<1x1024x32xf32, #tpu.memory_space<vmem>> -> memref<1024x32xf32, #tpu.memory_space<vmem>>
      %dma_wait3A_635 = arith.constant 512 : i32
      %dma_wait3A_636 = arith.constant 0 : i32
      %dma_wait3A_637 = tpu.memref_slice %dma_wait3A_634[%dma_wait3A_635, %dma_wait3A_636] : memref<1024x32xf32, #tpu.memory_space<vmem>> -> memref<128x32xf32, #tpu.memory_space<vmem>>
      %dma_wait3A_638 = arith.constant 0 : i32
      %dma_wait3A_639 = tpu.memref_slice %arg5[%add3A_629, %dma_wait3A_638] : memref<384x128xi32, #tpu.memory_space<vmem>> -> memref<1x128xi32, #tpu.memory_space<vmem>>
      %dma_wait3A_640 = tpu.memref_squeeze %dma_wait3A_639 : memref<1x128xi32, #tpu.memory_space<vmem>> -> memref<128xi32, #tpu.memory_space<vmem>>
      %dma_wait3A_641 = arith.constant 0 : i32
      %dma_wait3A_642 = arith.constant 0 : i32
      %dma_wait3A_643 = tpu.memref_slice %arg2[%dma_wait3A_641, %dma_wait3A_642] : memref<98304x32xf32, #tpu.memory_space<hbm>> -> memref<98304x32xf32, #tpu.memory_space<hbm>>
      tpu.wait_indirect_dma semaphore(%arg8 : memref<!tpu.dma_semaphore, #tpu.memory_space<semaphore_mem>>) src(%dma_wait3A_643 : memref<98304x32xf32, #tpu.memory_space<hbm>>) dst(%dma_wait3A_637 : memref<128x32xf32, #tpu.memory_space<vmem>>)
      %mul3A_644 = arith.constant 8 : i32
      %mul3A_645 = arith.muli %add3A_548, %mul3A_644 : i32
      %add3A_646 = arith.constant 5 : i32
      %add3A_647 = arith.addi %mul3A_645, %add3A_646 : i32
      %dma_wait3A_648 = arith.constant 1 : i32
      %dma_wait3A_649 = arith.constant 0 : i32
      %dma_wait3A_650 = arith.constant 0 : i32
      %dma_wait3A_651 = tpu.memref_slice %arg6[%dma_wait3A_648, %dma_wait3A_649, %dma_wait3A_650] : memref<2x1024x32xf32, #tpu.memory_space<vmem>> -> memref<1x1024x32xf32, #tpu.memory_space<vmem>>
      %dma_wait3A_652 = tpu.memref_squeeze %dma_wait3A_651 : memref<1x1024x32xf32, #tpu.memory_space<vmem>> -> memref<1024x32xf32, #tpu.memory_space<vmem>>
      %dma_wait3A_653 = arith.constant 640 : i32
      %dma_wait3A_654 = arith.constant 0 : i32
      %dma_wait3A_655 = tpu.memref_slice %dma_wait3A_652[%dma_wait3A_653, %dma_wait3A_654] : memref<1024x32xf32, #tpu.memory_space<vmem>> -> memref<128x32xf32, #tpu.memory_space<vmem>>
      %dma_wait3A_656 = arith.constant 0 : i32
      %dma_wait3A_657 = tpu.memref_slice %arg5[%add3A_647, %dma_wait3A_656] : memref<384x128xi32, #tpu.memory_space<vmem>> -> memref<1x128xi32, #tpu.memory_space<vmem>>
      %dma_wait3A_658 = tpu.memref_squeeze %dma_wait3A_657 : memref<1x128xi32, #tpu.memory_space<vmem>> -> memref<128xi32, #tpu.memory_space<vmem>>
      %dma_wait3A_659 = arith.constant 0 : i32
      %dma_wait3A_660 = arith.constant 0 : i32
      %dma_wait3A_661 = tpu.memref_slice %arg2[%dma_wait3A_659, %dma_wait3A_660] : memref<98304x32xf32, #tpu.memory_space<hbm>> -> memref<98304x32xf32, #tpu.memory_space<hbm>>
      tpu.wait_indirect_dma semaphore(%arg8 : memref<!tpu.dma_semaphore, #tpu.memory_space<semaphore_mem>>) src(%dma_wait3A_661 : memref<98304x32xf32, #tpu.memory_space<hbm>>) dst(%dma_wait3A_655 : memref<128x32xf32, #tpu.memory_space<vmem>>)
      %mul3A_662 = arith.constant 8 : i32
      %mul3A_663 = arith.muli %add3A_548, %mul3A_662 : i32
      %add3A_664 = arith.constant 6 : i32
      %add3A_665 = arith.addi %mul3A_663, %add3A_664 : i32
      %dma_wait3A_666 = arith.constant 1 : i32
      %dma_wait3A_667 = arith.constant 0 : i32
      %dma_wait3A_668 = arith.constant 0 : i32
      %dma_wait3A_669 = tpu.memref_slice %arg6[%dma_wait3A_666, %dma_wait3A_667, %dma_wait3A_668] : memref<2x1024x32xf32, #tpu.memory_space<vmem>> -> memref<1x1024x32xf32, #tpu.memory_space<vmem>>
      %dma_wait3A_670 = tpu.memref_squeeze %dma_wait3A_669 : memref<1x1024x32xf32, #tpu.memory_space<vmem>> -> memref<1024x32xf32, #tpu.memory_space<vmem>>
      %dma_wait3A_671 = arith.constant 768 : i32
      %dma_wait3A_672 = arith.constant 0 : i32
      %dma_wait3A_673 = tpu.memref_slice %dma_wait3A_670[%dma_wait3A_671, %dma_wait3A_672] : memref<1024x32xf32, #tpu.memory_space<vmem>> -> memref<128x32xf32, #tpu.memory_space<vmem>>
      %dma_wait3A_674 = arith.constant 0 : i32
      %dma_wait3A_675 = tpu.memref_slice %arg5[%add3A_665, %dma_wait3A_674] : memref<384x128xi32, #tpu.memory_space<vmem>> -> memref<1x128xi32, #tpu.memory_space<vmem>>
      %dma_wait3A_676 = tpu.memref_squeeze %dma_wait3A_675 : memref<1x128xi32, #tpu.memory_space<vmem>> -> memref<128xi32, #tpu.memory_space<vmem>>
      %dma_wait3A_677 = arith.constant 0 : i32
      %dma_wait3A_678 = arith.constant 0 : i32
      %dma_wait3A_679 = tpu.memref_slice %arg2[%dma_wait3A_677, %dma_wait3A_678] : memref<98304x32xf32, #tpu.memory_space<hbm>> -> memref<98304x32xf32, #tpu.memory_space<hbm>>
      tpu.wait_indirect_dma semaphore(%arg8 : memref<!tpu.dma_semaphore, #tpu.memory_space<semaphore_mem>>) src(%dma_wait3A_679 : memref<98304x32xf32, #tpu.memory_space<hbm>>) dst(%dma_wait3A_673 : memref<128x32xf32, #tpu.memory_space<vmem>>)
      %mul3A_680 = arith.constant 8 : i32
      %mul3A_681 = arith.muli %add3A_548, %mul3A_680 : i32
      %add3A_682 = arith.constant 7 : i32
      %add3A_683 = arith.addi %mul3A_681, %add3A_682 : i32
      %dma_wait3A_684 = arith.constant 1 : i32
      %dma_wait3A_685 = arith.constant 0 : i32
      %dma_wait3A_686 = arith.constant 0 : i32
      %dma_wait3A_687 = tpu.memref_slice %arg6[%dma_wait3A_684, %dma_wait3A_685, %dma_wait3A_686] : memref<2x1024x32xf32, #tpu.memory_space<vmem>> -> memref<1x1024x32xf32, #tpu.memory_space<vmem>>
      %dma_wait3A_688 = tpu.memref_squeeze %dma_wait3A_687 : memref<1x1024x32xf32, #tpu.memory_space<vmem>> -> memref<1024x32xf32, #tpu.memory_space<vmem>>
      %dma_wait3A_689 = arith.constant 896 : i32
      %dma_wait3A_690 = arith.constant 0 : i32
      %dma_wait3A_691 = tpu.memref_slice %dma_wait3A_688[%dma_wait3A_689, %dma_wait3A_690] : memref<1024x32xf32, #tpu.memory_space<vmem>> -> memref<128x32xf32, #tpu.memory_space<vmem>>
      %dma_wait3A_692 = arith.constant 0 : i32
      %dma_wait3A_693 = tpu.memref_slice %arg5[%add3A_683, %dma_wait3A_692] : memref<384x128xi32, #tpu.memory_space<vmem>> -> memref<1x128xi32, #tpu.memory_space<vmem>>
      %dma_wait3A_694 = tpu.memref_squeeze %dma_wait3A_693 : memref<1x128xi32, #tpu.memory_space<vmem>> -> memref<128xi32, #tpu.memory_space<vmem>>
      %dma_wait3A_695 = arith.constant 0 : i32
      %dma_wait3A_696 = arith.constant 0 : i32
      %dma_wait3A_697 = tpu.memref_slice %arg2[%dma_wait3A_695, %dma_wait3A_696] : memref<98304x32xf32, #tpu.memory_space<hbm>> -> memref<98304x32xf32, #tpu.memory_space<hbm>>
      tpu.wait_indirect_dma semaphore(%arg8 : memref<!tpu.dma_semaphore, #tpu.memory_space<semaphore_mem>>) src(%dma_wait3A_697 : memref<98304x32xf32, #tpu.memory_space<hbm>>) dst(%dma_wait3A_691 : memref<128x32xf32, #tpu.memory_space<vmem>>)
      %mul3A_698 = arith.constant 1024 : i32
      %mul3A_699 = arith.muli %add3A_548, %mul3A_698 : i32
      %add3A_700 = arith.addi %add3A_75, %mul3A_699 : i32
      %mul3A_701 = arith.constant 32 : i32
      %mul3A_702 = arith.muli %select_n3A_54, %mul3A_701 : i32
      %dma_start3A_703 = arith.constant 1 : i32
      %dma_start3A_704 = arith.constant 0 : i32
      %dma_start3A_705 = arith.constant 0 : i32
      %dma_start3A_706 = tpu.memref_slice %arg6[%dma_start3A_703, %dma_start3A_704, %dma_start3A_705] : memref<2x1024x32xf32, #tpu.memory_space<vmem>> -> memref<1x1024x32xf32, #tpu.memory_space<vmem>>
      %dma_start3A_707 = tpu.memref_squeeze %dma_start3A_706 : memref<1x1024x32xf32, #tpu.memory_space<vmem>> -> memref<1024x32xf32, #tpu.memory_space<vmem>>
      %dma_start3A_708 = tpu.memref_slice %arg4[%add3A_700, %mul3A_702] : memref<393216x128xf32, #tpu.memory_space<hbm>> -> memref<1024x32xf32, #tpu.memory_space<hbm>>
      %dma_start3A_709 = tpu.memref_slice %arg4[%add3A_700, %mul3A_702] : memref<393216x128xf32, #tpu.memory_space<hbm>> -> memref<1024x32xf32, #tpu.memory_space<hbm>>
      %dma_start3A_710 = arith.constant 0 : i32
      %dma_start3A_711 = arith.constant 0 : i32
      %dma_start3A_712 = tpu.memref_slice %arg6[%dma_start3A_703, %dma_start3A_710, %dma_start3A_711] : memref<2x1024x32xf32, #tpu.memory_space<vmem>> -> memref<1x1024x32xf32, #tpu.memory_space<vmem>>
      %dma_start3A_713 = tpu.memref_squeeze %dma_start3A_712 : memref<1x1024x32xf32, #tpu.memory_space<vmem>> -> memref<1024x32xf32, #tpu.memory_space<vmem>>
      tpu.enqueue_dma source(%dma_start3A_713 : memref<1024x32xf32, #tpu.memory_space<vmem>>) target(%dma_start3A_709 : memref<1024x32xf32, #tpu.memory_space<hbm>>) target_semaphore(%arg10 : memref<!tpu.dma_semaphore, #tpu.memory_space<semaphore_mem>>)
    }
    %scan3A_198 = arith.constant 24 : i32
    %add3A_199 = arith.constant 47104 : i32
    %add3A_200 = arith.addi %add3A_75, %add3A_199 : i32
    %mul3A_201 = arith.constant 32 : i32
    %mul3A_202 = arith.muli %select_n3A_54, %mul3A_201 : i32
    %dma_wait3A = arith.constant 0 : i32
    %dma_wait3A_203 = arith.constant 0 : i32
    %dma_wait3A_204 = arith.constant 0 : i32
    %dma_wait3A_205 = tpu.memref_slice %arg6[%dma_wait3A, %dma_wait3A_203, %dma_wait3A_204] : memref<2x1024x32xf32, #tpu.memory_space<vmem>> -> memref<1x1024x32xf32, #tpu.memory_space<vmem>>
    %dma_wait3A_206 = tpu.memref_squeeze %dma_wait3A_205 : memref<1x1024x32xf32, #tpu.memory_space<vmem>> -> memref<1024x32xf32, #tpu.memory_space<vmem>>
    %dma_wait3A_207 = tpu.memref_slice %arg4[%add3A_200, %mul3A_202] : memref<393216x128xf32, #tpu.memory_space<hbm>> -> memref<1024x32xf32, #tpu.memory_space<hbm>>
    %dma_wait3A_208 = tpu.memref_slice %arg4[%add3A_200, %mul3A_202] : memref<393216x128xf32, #tpu.memory_space<hbm>> -> memref<1024x32xf32, #tpu.memory_space<hbm>>
    %dma_wait3A_209 = arith.constant 0 : i32
    %dma_wait3A_210 = arith.constant 0 : i32
    %dma_wait3A_211 = tpu.memref_slice %arg6[%dma_wait3A, %dma_wait3A_209, %dma_wait3A_210] : memref<2x1024x32xf32, #tpu.memory_space<vmem>> -> memref<1x1024x32xf32, #tpu.memory_space<vmem>>
    %dma_wait3A_212 = tpu.memref_squeeze %dma_wait3A_211 : memref<1x1024x32xf32, #tpu.memory_space<vmem>> -> memref<1024x32xf32, #tpu.memory_space<vmem>>
    tpu.wait_dma2 semaphore(%arg9 : memref<!tpu.dma_semaphore, #tpu.memory_space<semaphore_mem>>) src(%dma_wait3A_212 : memref<1024x32xf32, #tpu.memory_space<vmem>>) dst(%dma_wait3A_208 : memref<1024x32xf32, #tpu.memory_space<hbm>>)
    %add3A_213 = arith.constant 48128 : i32
    %add3A_214 = arith.addi %add3A_75, %add3A_213 : i32
    %mul3A_215 = arith.constant 32 : i32
    %mul3A_216 = arith.muli %select_n3A_54, %mul3A_215 : i32
    %dma_wait3A_217 = arith.constant 1 : i32
    %dma_wait3A_218 = arith.constant 0 : i32
    %dma_wait3A_219 = arith.constant 0 : i32
    %dma_wait3A_220 = tpu.memref_slice %arg6[%dma_wait3A_217, %dma_wait3A_218, %dma_wait3A_219] : memref<2x1024x32xf32, #tpu.memory_space<vmem>> -> memref<1x1024x32xf32, #tpu.memory_space<vmem>>
    %dma_wait3A_221 = tpu.memref_squeeze %dma_wait3A_220 : memref<1x1024x32xf32, #tpu.memory_space<vmem>> -> memref<1024x32xf32, #tpu.memory_space<vmem>>
    %dma_wait3A_222 = tpu.memref_slice %arg4[%add3A_214, %mul3A_216] : memref<393216x128xf32, #tpu.memory_space<hbm>> -> memref<1024x32xf32, #tpu.memory_space<hbm>>
    %dma_wait3A_223 = tpu.memref_slice %arg4[%add3A_214, %mul3A_216] : memref<393216x128xf32, #tpu.memory_space<hbm>> -> memref<1024x32xf32, #tpu.memory_space<hbm>>
    %dma_wait3A_224 = arith.constant 0 : i32
    %dma_wait3A_225 = arith.constant 0 : i32
    %dma_wait3A_226 = tpu.memref_slice %arg6[%dma_wait3A_217, %dma_wait3A_224, %dma_wait3A_225] : memref<2x1024x32xf32, #tpu.memory_space<vmem>> -> memref<1x1024x32xf32, #tpu.memory_space<vmem>>
    %dma_wait3A_227 = tpu.memref_squeeze %dma_wait3A_226 : memref<1x1024x32xf32, #tpu.memory_space<vmem>> -> memref<1024x32xf32, #tpu.memory_space<vmem>>
    tpu.wait_dma2 semaphore(%arg10 : memref<!tpu.dma_semaphore, #tpu.memory_space<semaphore_mem>>) src(%dma_wait3A_227 : memref<1024x32xf32, #tpu.memory_space<vmem>>) dst(%dma_wait3A_223 : memref<1024x32xf32, #tpu.memory_space<hbm>>)
    return
  }
}

module attributes {stable_mosaic.version = 14 : i64} {
  func.func @_prep_body(%arg0: i32, %arg1: memref<2x16x2x24x64xf32, #tpu.memory_space<vmem>>, %arg2: memref<3072x32xf32, #tpu.memory_space<vmem>>) attributes {dimension_semantics = [#tpu.dimension_semantics<arbitrary>], iteration_bounds = array<i64: 32>, scalar_prefetch = 0 : i64, scratch_operands = 0 : i64, tpu.core_type = #tpu.core_type<tc>, window_params = [{transform_indices = @transform_0, window_bounds = array<i64: 2, 16, 2, 24, 64>}, {transform_indices = @transform_1, window_bounds = array<i64: 3072, 32>}]} {
    %get3A = arith.constant 0 : index
    %get3A_0 = arith.constant 0 : index
    %get3A_1 = arith.constant 0 : index
    %get3A_2 = arith.constant 0 : index
    %get3A_3 = arith.constant 0 : index
    %get3A_4 = vector.load %arg1[%get3A, %get3A_0, %get3A_1, %get3A_2, %get3A_3] : memref<2x16x2x24x64xf32, #tpu.memory_space<vmem>>, vector<2x16x2x24x64xf32>
    %reshape3A = vector.shape_cast %get3A_4 : vector<2x16x2x24x64xf32> to vector<32x3072xf32>
    %transpose3A = tpu.transpose %reshape3A, [1, 0] : vector<32x3072xf32> -> vector<3072x32xf32>
    %swap3A = arith.constant 0 : index
    %swap3A_5 = arith.constant 0 : index
    %swap3A_6 = vector.load %arg2[%swap3A, %swap3A_5] : memref<3072x32xf32, #tpu.memory_space<vmem>>, vector<3072x32xf32>
    tpu.vector_store %arg2[%swap3A, %swap3A_5], %transpose3A {strides = array<i32>} : memref<3072x32xf32, #tpu.memory_space<vmem>>, vector<3072x32xf32>,
    return
  }
  func.func @transform_0(%arg0: i32) -> (i32, i32, i32, i32, i32) {
    %c0_i32 = arith.constant 0 : i32
    %c0_i32_0 = arith.constant 0 : i32
    %c0_i32_1 = arith.constant 0 : i32
    %c0_i32_2 = arith.constant 0 : i32
    %c0_i32_3 = arith.constant 0 : i32
    return %c0_i32, %c0_i32_0, %arg0, %c0_i32_1, %c0_i32_2 : i32, i32, i32, i32, i32
  }
  func.func @transform_1(%arg0: i32) -> (i32, i32) {
    %c0_i32 = arith.constant 0 : i32
    %c0_i32_0 = arith.constant 0 : i32
    return %arg0, %c0_i32 : i32, i32
  }
}

module attributes {stable_mosaic.version = 14 : i64} {
  func.func @_mix_body(%arg0: i32, %arg1: memref<6144x128xf32, #tpu.memory_space<vmem>>, %arg2: memref<6144x128xf32, #tpu.memory_space<vmem>>, %arg3: memref<6144x128xf32, #tpu.memory_space<vmem>>, %arg4: memref<6144x128xf32, #tpu.memory_space<vmem>>, %arg5: memref<4x128x32xf32, #tpu.memory_space<vmem>>, %arg6: memref<32x1xf32, #tpu.memory_space<vmem>>, %arg7: memref<2x16x4x24x64xf32, #tpu.memory_space<vmem>>) attributes {dimension_semantics = [#tpu.dimension_semantics<arbitrary>], iteration_bounds = array<i64: 16>, scalar_prefetch = 0 : i64, scratch_operands = 0 : i64, tpu.core_type = #tpu.core_type<tc>, window_params = [{transform_indices = @transform_0, window_bounds = array<i64: 6144, 128>}, {transform_indices = @transform_1, window_bounds = array<i64: 6144, 128>}, {transform_indices = @transform_2, window_bounds = array<i64: 6144, 128>}, {transform_indices = @transform_3, window_bounds = array<i64: 6144, 128>}, {pipeline_mode = #tpu.pipeline_mode<synchronous>, transform_indices = @transform_4, window_bounds = array<i64: 4, 128, 32>}, {pipeline_mode = #tpu.pipeline_mode<synchronous>, transform_indices = @transform_5, window_bounds = array<i64: 32, 1>}, {transform_indices = @transform_6, window_bounds = array<i64: 2, 16, 4, 24, 64>}]} {
    %get3A = arith.constant 0 : index
    %get3A_0 = arith.constant 0 : index
    %get3A_1 = vector.load %arg6[%get3A, %get3A_0] : memref<32x1xf32, #tpu.memory_space<vmem>>, vector<32x1xf32>
    %get3A_2 = arith.constant 0 : index
    %get3A_3 = arith.constant 0 : index
    %get3A_4 = arith.constant 0 : index
    %get3A_5 = vector.load %arg5[%get3A_2, %get3A_3, %get3A_4] : memref<4x128x32xf32, #tpu.memory_space<vmem>>, vector<1x128x32xf32>
    %get3A_6 = vector.shape_cast %get3A_5 : vector<1x128x32xf32> to vector<128x32xf32>
    %get3A_7 = arith.constant 0 : index
    %get3A_8 = arith.constant 0 : index
    %get3A_9 = vector.load %arg1[%get3A_7, %get3A_8] : memref<6144x128xf32, #tpu.memory_space<vmem>>, vector<6144x128xf32>
    %dot_general3A = arith.constant dense<0.000000e+00> : vector<32x6144xf32>
    %dot_general3A_10 = tpu.matmul %get3A_6, %get3A_9, %dot_general3A {dimension_numbers = #tpu.dot_dimension_numbers<[0], [1], [1], [0], [0, 1, 1, 0], [], []>, transpose_lhs_hint = false} : vector<128x32xf32>, vector<6144x128xf32>, vector<32x6144xf32> -> vector<32x6144xf32>
    %add3A = vector.broadcast %get3A_1 : vector<32x1xf32> to vector<32x6144xf32>
    %add3A_11 = arith.addf %add3A, %dot_general3A_10 : vector<32x6144xf32>
    %get3A_12 = arith.constant 1 : index
    %get3A_13 = arith.constant 0 : index
    %get3A_14 = arith.constant 0 : index
    %get3A_15 = vector.load %arg5[%get3A_12, %get3A_13, %get3A_14] : memref<4x128x32xf32, #tpu.memory_space<vmem>>, vector<1x128x32xf32>
    %get3A_16 = vector.shape_cast %get3A_15 : vector<1x128x32xf32> to vector<128x32xf32>
    %get3A_17 = arith.constant 0 : index
    %get3A_18 = arith.constant 0 : index
    %get3A_19 = vector.load %arg2[%get3A_17, %get3A_18] : memref<6144x128xf32, #tpu.memory_space<vmem>>, vector<6144x128xf32>
    %dot_general3A_20 = arith.constant dense<0.000000e+00> : vector<32x6144xf32>
    %dot_general3A_21 = tpu.matmul %get3A_16, %get3A_19, %dot_general3A_20 {dimension_numbers = #tpu.dot_dimension_numbers<[0], [1], [1], [0], [0, 1, 1, 0], [], []>, transpose_lhs_hint = false} : vector<128x32xf32>, vector<6144x128xf32>, vector<32x6144xf32> -> vector<32x6144xf32>
    %add3A_22 = arith.addf %add3A_11, %dot_general3A_21 : vector<32x6144xf32>
    %get3A_23 = arith.constant 2 : index
    %get3A_24 = arith.constant 0 : index
    %get3A_25 = arith.constant 0 : index
    %get3A_26 = vector.load %arg5[%get3A_23, %get3A_24, %get3A_25] : memref<4x128x32xf32, #tpu.memory_space<vmem>>, vector<1x128x32xf32>
    %get3A_27 = vector.shape_cast %get3A_26 : vector<1x128x32xf32> to vector<128x32xf32>
    %get3A_28 = arith.constant 0 : index
    %get3A_29 = arith.constant 0 : index
    %get3A_30 = vector.load %arg3[%get3A_28, %get3A_29] : memref<6144x128xf32, #tpu.memory_space<vmem>>, vector<6144x128xf32>
    %dot_general3A_31 = arith.constant dense<0.000000e+00> : vector<32x6144xf32>
    %dot_general3A_32 = tpu.matmul %get3A_27, %get3A_30, %dot_general3A_31 {dimension_numbers = #tpu.dot_dimension_numbers<[0], [1], [1], [0], [0, 1, 1, 0], [], []>, transpose_lhs_hint = false} : vector<128x32xf32>, vector<6144x128xf32>, vector<32x6144xf32> -> vector<32x6144xf32>
    %add3A_33 = arith.addf %add3A_22, %dot_general3A_32 : vector<32x6144xf32>
    %get3A_34 = arith.constant 3 : index
    %get3A_35 = arith.constant 0 : index
    %get3A_36 = arith.constant 0 : index
    %get3A_37 = vector.load %arg5[%get3A_34, %get3A_35, %get3A_36] : memref<4x128x32xf32, #tpu.memory_space<vmem>>, vector<1x128x32xf32>
    %get3A_38 = vector.shape_cast %get3A_37 : vector<1x128x32xf32> to vector<128x32xf32>
    %get3A_39 = arith.constant 0 : index
    %get3A_40 = arith.constant 0 : index
    %get3A_41 = vector.load %arg4[%get3A_39, %get3A_40] : memref<6144x128xf32, #tpu.memory_space<vmem>>, vector<6144x128xf32>
    %dot_general3A_42 = arith.constant dense<0.000000e+00> : vector<32x6144xf32>
    %dot_general3A_43 = tpu.matmul %get3A_38, %get3A_41, %dot_general3A_42 {dimension_numbers = #tpu.dot_dimension_numbers<[0], [1], [1], [0], [0, 1, 1, 0], [], []>, transpose_lhs_hint = false} : vector<128x32xf32>, vector<6144x128xf32>, vector<32x6144xf32> -> vector<32x6144xf32>
    %add3A_44 = arith.addf %add3A_33, %dot_general3A_43 : vector<32x6144xf32>
    %reshape3A = vector.shape_cast %add3A_44 : vector<32x6144xf32> to vector<2x16x4x24x64xf32>
    %swap3A = arith.constant 0 : index
    %swap3A_45 = arith.constant 0 : index
    %swap3A_46 = arith.constant 0 : index
    %swap3A_47 = arith.constant 0 : index
    %swap3A_48 = arith.constant 0 : index
    %swap3A_49 = vector.load %arg7[%swap3A, %swap3A_45, %swap3A_46, %swap3A_47, %swap3A_48] : memref<2x16x4x24x64xf32, #tpu.memory_space<vmem>>, vector<2x16x4x24x64xf32>
    tpu.vector_store %arg7[%swap3A, %swap3A_45, %swap3A_46, %swap3A_47, %swap3A_48], %reshape3A {strides = array<i32>} : memref<2x16x4x24x64xf32, #tpu.memory_space<vmem>>, vector<2x16x4x24x64xf32>,
    return
  }
  func.func @transform_0(%arg0: i32) -> (i32, i32) {
    %add3A = arith.constant 0 : i32
    %add3A_0 = arith.addi %add3A, %arg0 : i32
    %c0_i32 = arith.constant 0 : i32
    %c0_i32_1 = arith.constant 0 : i32
    return %add3A_0, %c0_i32 : i32, i32
  }
  func.func @transform_1(%arg0: i32) -> (i32, i32) {
    %add3A = arith.constant 16 : i32
    %add3A_0 = arith.addi %add3A, %arg0 : i32
    %c0_i32 = arith.constant 0 : i32
    %c0_i32_1 = arith.constant 0 : i32
    return %add3A_0, %c0_i32 : i32, i32
  }
  func.func @transform_2(%arg0: i32) -> (i32, i32) {
    %add3A = arith.constant 32 : i32
    %add3A_0 = arith.addi %add3A, %arg0 : i32
    %c0_i32 = arith.constant 0 : i32
    %c0_i32_1 = arith.constant 0 : i32
    return %add3A_0, %c0_i32 : i32, i32
  }
  func.func @transform_3(%arg0: i32) -> (i32, i32) {
    %add3A = arith.constant 48 : i32
    %add3A_0 = arith.addi %add3A, %arg0 : i32
    %c0_i32 = arith.constant 0 : i32
    %c0_i32_1 = arith.constant 0 : i32
    return %add3A_0, %c0_i32 : i32, i32
  }
  func.func @transform_4(%arg0: i32) -> (i32, i32, i32) {
    %c0_i32 = arith.constant 0 : i32
    %c0_i32_0 = arith.constant 0 : i32
    %c0_i32_1 = arith.constant 0 : i32
    %c0_i32_2 = arith.constant 0 : i32
    return %c0_i32, %c0_i32_0, %c0_i32_1 : i32, i32, i32
  }
  func.func @transform_5(%arg0: i32) -> (i32, i32) {
    %c0_i32 = arith.constant 0 : i32
    %c0_i32_0 = arith.constant 0 : i32
    %c0_i32_1 = arith.constant 0 : i32
    return %c0_i32, %c0_i32_0 : i32, i32
  }
  func.func @transform_6(%arg0: i32) -> (i32, i32, i32, i32, i32) {
    %c0_i32 = arith.constant 0 : i32
    %c0_i32_0 = arith.constant 0 : i32
    %c0_i32_1 = arith.constant 0 : i32
    %c0_i32_2 = arith.constant 0 : i32
    %c0_i32_3 = arith.constant 0 : i32
    return %c0_i32, %c0_i32_0, %arg0, %c0_i32_1, %c0_i32_2 : i32, i32, i32, i32, i32
  }
}

</mosaic_0001>

<sc_bundles>
// kernel: kernel.5.cloned.1.call-start
scs
__scs_entry_jumppad:
0x0: {  	(pc) =	sbr.rel $0x88, $3  }
0x1: {  	(tag) =	ssettag $0x0;
	lr =	simm.s32 $0x1  }
0x2: {  	[smem:$0x3F9D] =	sst lr;
	_ =	strace $0xD0000000  }
0x3: {  	_ = 	snop  }
0x4: {  	_ = 	snop  }
0x5: {  	_ = 	snop  }
0x6: {  	_ = 	snop  }
0x7: {  	_ = 	snop  }
__scs_overlays_trampoline_lowered:
0x8: {  	[smem:$0x3FAC] =	sst s0  }
0x9: {  	[smem:$0x3FAD] =	sst s1  }
0xa: {  	[smem:$0x3FAE] =	sst s2  }
0xb: {  	[smem:$0x3FAF] =	sst s3  }
0xc: {  	[smem:$0x3FB0] =	sst s4  }
0xd: {  	[smem:$0x3FB1] =	sst s5  }
0xe: {  	[smem:$0x3FB2] =	sst s6  }
0xf: {  	[smem:$0x3FB3] =	sst s7  }
0x10: {  	[smem:$0x3FB4] =	sst s8  }
0x11: {  	[smem:$0x3FB5] =	sst s9;
	s0 =	simm.s32 @!p0 $0x0  }
0x12: {  	s1 =	sld [smem:$0x3F9B];
	s0 =	simm.s32 @p0 $0x1  }
0x13: {  	[smem:$0x3FB6] =	sst s0;
	s0 =	simm.s32 @!p1 $0x0  }
0x14: {  	s2 =	sld [smem:$0x3F9A];
	s0 =	simm.s32 @p1 $0x1  }
0x15: {  	[smem:$0x3FB7] =	sst s0;
	s0 =	simm.s32 @!p2 $0x0  }
0x16: {  	s3 =	sld [smem:$0x3FDB];
	s0 =	simm.s32 @p2 $0x1  }
0x17: {  	s4 =	simm.s32 $0x1BF5;
	[smem:$0x3FB9] =	sst s0  }
0x18: {  	s0 =	sld [smem:$0x3F9C];
	_ =	swait.ge [sflag:s4], $0x0  }
0x19: {  	s7 =	sld [smem:$0x3F9D]  }
0x1a: {  	s8 =	sadd.s32 $0xFFFFE003, lr  }
0x1b: {  	s9 =	sadd.s32 $0xFFFFFEF7, lr;
	s5 =	simm.s32 $0xFFFFFFFF;
	p2 =	slt.u32 s8, $0xFFFFF086  }
0x1c: {  	p1 =	slt.u32 s9, $0xF7A;
	s5 =	simm.s32 @!p2 $0x0  }
0x1d: {  	s5 =	simm.s32 @p1 $0x1;
	p0 =	seq.s32 s7, s2  }
0x1e: {  	s7 =	smul.u32 @!p0 $0xF7A, s2;
	p2 =	seq.s32 @!p0 s5, $0x0  }
0x1f: {  	s9 =	smul.u32 $0xF7A, s1;
	s8 =	simm.s32 @!p0 $0x1BF5;
	p2 =	por !p2, p0  }
0x20: {  	[sflag:s8] =	ssyncset.s32 @!p0 $0xFFFFF086;
	s6 =	sadd.s32 @!p0 s3, s7;
	s7 =	simm.s32 @!p0 $0x108  }
0x21: {  	s3 =	sadd.s32 s3, s9;
	s6 =	sadd.s32 @!p0 $0x88, s6;
	s7 =	simm.s32 @p2 $0x1082  }
0x22: {  	[simem:s7], [sflag:s8] =	dma.local @!p0 [hbm:s6], $0xF7A  }
0x23: {  	s9 =	sor.u32 $0xD0000000, s2;
	s6 =	simm.s32 $0x108;
	_ =	swait.ge @!p0 [sflag:s8], $0x0  }
0x24: {  	s3 =	sadd.s32 $0x88, s3;
	s6 =	simm.s32 @!p1 $0x1082;
	[sflag:s4] =	ssyncset.s32 $0xFFFFF086  }
0x25: {  	[simem:s6], [sflag:s4] =	dma.local [hbm:s3], $0xF7A  }
0x26: {  	[smem:$0x3F9D] =	sst s1;
	(tag) =	ssettag s2;
	_ =	strace s9  }
0x27: {  	s1 =	sld [smem:$0x3FAD]  }
0x28: {  	s2 =	sld [smem:$0x3FAE]  }
0x29: {  	s4 =	sld [smem:$0x3FB0]  }
0x2a: {  	p0 =	seq.s32 s5, $0x0;
	s5 =	sld [smem:$0x3FB1]  }
0x2b: {  	s6 =	sld [smem:$0x3FB2]  }
0x2c: {  	s7 =	sld [smem:$0x3FB3]  }
0x2d: {  	s3 =	simm.s32 $0x108;
	s8 =	sld [smem:$0x3FB4]  }
0x2e: {  	s3 =	simm.s32 @!p0 $0x1082;
	s9 =	sld [smem:$0x3FB5]  }
0x2f: {  	lr =	sadd.s32 s0, s3;
	s0 =	sld [smem:$0x3FAC]  }
0x30: {  	s3 =	sld [smem:$0x3FAF]  }
0x31: {  	[smem:$0x3FB8] =	sst s10  }
0x32: {  	s10 =	sld [smem:$0x3FB6];
	_ =	sdelay $0x3  }
0x33: {  	p0 =	seq.s32 s10, $0x1;
	s10 =	sld [smem:$0x3FB8];
	_ =	sdelay $0x3  }
0x34: {  	[smem:$0x3FB8] =	sst s10  }
0x35: {  	s10 =	sld [smem:$0x3FB7];
	_ =	sdelay $0x3  }
0x36: {  	p1 =	seq.s32 s10, $0x1;
	s10 =	sld [smem:$0x3FB8];
	_ =	sdelay $0x3  }
0x37: {  	[smem:$0x3FB8] =	sst s10  }
0x38: {  	s10 =	sld [smem:$0x3FB9]  }
0x39: {  	_ = 	snop;
	(pc) =	sbr.ind lr, $3  }
0x3a: {  	_ = 	snop  }
0x3b: {  	_ = 	snop  }
0x3c: {  	p2 =	seq.s32 s10, $0x1;
	s10 =	sld [smem:$0x3FB8]  }
0x3d: {  	_ =	shalt  }
0x3e: {  	_ =	shalt  }
0x3f: {  	_ =	shalt  }
0x40: {  	_ =	shalt  }
0x41: {  	_ =	shalt  }
0x42: {  	_ =	shalt  }
0x43: {  	_ =	shalt  }
0x44: {  	_ =	shalt  }
0x45: {  	_ =	shalt  }
0x46: {  	_ =	shalt  }
0x47: {  	_ =	shalt  }
0x48: {  	_ =	shalt  }
0x49: {  	_ =	shalt  }
0x4a: {  	_ =	shalt  }
0x4b: {  	_ =	shalt  }
0x4c: {  	_ =	shalt  }
0x4d: {  	_ =	shalt  }
0x4e: {  	_ =	shalt  }
0x4f: {  	_ =	shalt  }
0x50: {  	_ =	shalt  }
0x51: {  	_ =	shalt  }
0x52: {  	_ =	shalt  }
0x53: {  	_ =	shalt  }
0x54: {  	_ =	shalt  }
0x55: {  	_ =	shalt  }
0x56: {  	_ =	shalt  }
0x57: {  	_ =	shalt  }
0x58: {  	_ =	shalt  }
0x59: {  	_ =	shalt  }
0x5a: {  	_ =	shalt  }
0x5b: {  	_ =	shalt  }
0x5c: {  	_ =	shalt  }
0x5d: {  	_ =	shalt  }
0x5e: {  	_ =	shalt  }
0x5f: {  	_ =	shalt  }
0x60: {  	_ =	shalt  }
0x61: {  	_ =	shalt  }
0x62: {  	_ =	shalt  }
0x63: {  	_ =	shalt  }
0x64: {  	_ =	shalt  }
0x65: {  	_ =	shalt  }
0x66: {  	_ =	shalt  }
0x67: {  	_ =	shalt  }
0x68: {  	_ =	shalt  }
0x69: {  	_ =	shalt  }
0x6a: {  	_ =	shalt  }
0x6b: {  	_ =	shalt  }
0x6c: {  	_ =	shalt  }
0x6d: {  	_ =	shalt  }
0x6e: {  	_ =	shalt  }
0x6f: {  	_ =	shalt  }
0x70: {  	_ =	shalt  }
0x71: {  	_ =	shalt  }
0x72: {  	_ =	shalt  }
0x73: {  	_ =	shalt  }
0x74: {  	_ =	shalt  }
0x75: {  	_ =	shalt  }
0x76: {  	_ =	shalt  }
0x77: {  	_ =	shalt  }
0x78: {  	_ =	shalt  }
0x79: {  	_ =	shalt  }
0x7a: {  	_ =	shalt  }
0x7b: {  	_ =	shalt  }
0x7c: {  	_ =	shalt  }
0x7d: {  	_ =	shalt  }
0x7e: {  	_ =	shalt  }
0x7f: {  	_ =	shalt  }
0x80: {  	_ =	shalt  }
0x81: {  	_ =	shalt  }
0x82: {  	_ =	shalt  }
0x83: {  	_ =	shalt  }
0x84: {  	_ =	shalt  }
0x85: {  	_ =	shalt  }
0x86: {  	_ =	shalt  }
0x87: {  	_ =	shalt  }
.Lfunc_end0:
.L_simem_size_0:
called_computation_lowered:
.L_overlay_start_0:
0x88: {  	s2 =	sld [smem:$0x3FD9]  }
0x89: {  	s3 =	sld [smem:$0x3FFE];
	_ =	sdelay $0x1  }
0x8a: {  	s1 =	srdreg.scid  }
0x8b: {  	s0 =	sand.u32 $0x1, s1  }
0x8c: {  	s17 =	sshll.u32 s0, $0xA;
	s2 =	sadd.s32 s3, s2  }
0x8d: {  	s2 =	sadd.s32 s2, s17  }
0x8e: {  	[smem:$0x3FC4] =	sst s2  }
0x8f: {  	_ = 	snop  }
0x90: {  	s2 =	sld [smem:$0x3FD0];
	(tm) =	ssettm $0x1  }
0x91: {  	s18 =	sld [smem:$0x3FFB];
	_ =	sdelay $0x3  }
0x92: {  	_ =	strace s18  }
0x93: {  	s3 =	sld [smem:$0x3FFC];
	_ =	sdelay $0x3  }
0x94: {  	_ =	strace s3  }
0x95: {  	s3 =	sld [smem:$0x3FFD];
	_ =	sdelay $0x3  }
0x96: {  	_ =	strace s3  }
0x97: {  	_ =	strace $0x8FFFFFFF  }
0x98: {  	s19 =	sld [smem:$0x3FDB];
	_ =	sdelay $0x1  }
0x99: {  	s4 =	simm.s32 $_scs_section_size  }
0x9a: {  	s5 =	simm.s32 $_size__tile_overlayer_lowered;
	s6 =	simm.s32 $_tile_overlayer_lowered  }
0x9b: {  	s22 =	simm.s32 $0x1BFF;
	s21 =	sshll.u32 s6, $0x1;
	s3 =	sadd.s32 s4, s19  }
0x9c: {  	s7 =	simm.s32 $0x0;
	s20 =	sshll.u32 s5, $0x1;
	s5 =	sadd.s32 s21, s3  }
0x9d: {  	[timem:s7], [sflag:s22] =	dma.local [hbm:s5], s20  }
0x9e: {  	_ =	swait.ge [sflag:s22], s20  }
0x9f: {  	s4 =	ssub.s32 $0x0, s20;
	[sflag:s22] =	ssyncset.done $0x0  }
0xa0: {  	[sflag:s22] =	ssyncadd.s32 s4;
	_ =	sdelay $0x1  }
0xa1: {  	s23 =	simm.s32 $0x1B8B  }
0xa2: {  	_ =	swait.ge [sflag:s23], $0x1  }
0xa3: {  	[sflag:s23] =	ssyncset.done $0x0  }
0xa4: {  	s25 =	simm.s32 $0x1B8E;
	s24 =	sld [smem:$0x3FFE];
	[sflag:s23] =	ssyncadd.s32 $0xFFFFFFFF  }
0xa5: {  	s26 =	simm.s32 $execute0_lowered;
	[smem:$0x3FD2] =	sst s25  }
0xa6: {  	s5 =	sshll.u32 s26, $0x1;
	_ =	strace $0x80000046;
	[dreg:$0x1] =	wrdreg $0xFFFFFFFF  }
0xa7: {  	s28 =	simm.s32 $_size_execute0_lowered;
	s3 =	sadd.s32 s3, s5;
	[dreg:$0x0] =	wrdreg $0x0  }
0xa8: {  	s5 =	sshll.u32 s28, $0x1;
	[dreg:$0x2] =	wrdreg s3  }
0xa9: {  	[dreg:$0x3] =	wrdreg s5  }
0xaa: {  	[dreg:$0x4] =	wrdreg $0xC0  }
0xab: {  	_ =	task [dreg:s7], $0x5FFFF  }
0xac: {  	[dreg:$0x1] =	wrdreg $0xFFFFFFFF  }
0xad: {  	[dreg:$0x0] =	wrdreg $0x60  }
0xae: {  	[dreg:$0x2] =	wrdreg s2  }
0xaf: {  	[dreg:$0x3] =	wrdreg s24  }
0xb0: {  	[dreg:$0x4] =	wrdreg $0x9  }
0xb1: {  	_ =	task.clear_ibuf [dreg:s7], $0x5FFFF;
	_ =	strace $0x90000046  }
0xb2: {  	s29 =	simm.s32 $0x9;
	_ =	strace $0x80000048  }
0xb3: {  	_ =	swait.ge [sflag:s29], $0x1  }
0xb4: {  	[sflag:s29] =	ssyncadd.s32 $0xFFFFFFFF  }
0xb5: {  	_ =	strace $0x90000048  }
0xb6: {  	_ =	sfence  }
0xb7: {  	s30 =	sld [smem:$0x0];
	_ =	sdelay $0x2  }
0xb8: {  	s31 =	sshll.u32 s1, $0xD;
	s1 =	sshrl.u32 s1, $0x2  }
0xb9: {  	s3 =	sand.u32 $0x4000, s31;
	s1 =	sadd.s32 s1, s30  }
0xba: {  	s0 =	sor.u32 s3, s0;
	s1 =	sshll.u32 s1, $0x11  }
0xbb: {  	s0 =	sor.u32 s1, s0  }
0xbc: {  	s0 =	sadd.s32 $0x8F2B, s0  }
0xbd: {  	[sflag:s0] =	ssyncadd.remote.s32 $0x1  }
0xbe: {  	_ =	sfence.sel $0xFFFF  }
0xbf: {  	[dreg:$0x0] =	wrdreg $0xFFFFFFFF;
	(pc) =	sbr.abs _section_cstart, $3  }
0xc0: {  	[dreg:$0x1] =	wrdreg $0xFFFFFFFF  }
0xc1: {  	_ =	task.clear_ibuf [dreg:s7], $0x2FFFF;
	_ =	strace $0x9FFFFFFF  }
0xc2: {  	(tm) =	ssettm $0x7FFFFFFF  }
0xc3: {  	_ =	shalt  }
tec
execute0_lowered:
.L_overlay_start_1:
0x0: {  	(tag) =	ssettag $0x1  }
0x1: {  	s0 =	srdreg.scid;
	s3 =	stileid.u32;
	s2 =	simm.s32 $0x1  }
0x2: {  	s6 =	rddreg [dreg:$0x1];
	s0 =	sand.u32 $0x1, s0;
	s1 =	sshll.u32 s3, $0x1  }
0x3: {  	s8 =	simm.s32 $0x1;
	s10 =	simm.s32 $0x80;
	s1 =	sor.u32 s0, s1  }
0x4: {  	s11 =	simm.s32 $0xC000;
	p0 =	seq.s32 s0, $0x1;
	p1 =	seq.s32 s1, $0x0  }
0x5: {  	s20 =	simm.s32 $0x15000;
	s21 =	simm.s32 $0x16000;
	p1 =	por !p1, !p0  }
0x6: {  	s22 =	simm.s32 $0x17000;
	s23 =	simm.s32 $0x18000;
	p1 =	por !p1, !p1  }
0x7: {  	s24 =	simm.s32 $0x19000;
	s25 =	simm.s32 $0x1A000;
	s2 =	simm.s32 @!p1 $0x0  }
0x8: {  	s26 =	simm.s32 $0x1B000;
	s28 =	simm.s32 $0x2;
	s4 =	ssub.s32 s3, s2  }
0x9: {  	s29 =	simm.s32 $0x3;
	s30 =	simm.s32 $0x4;
	s2 =	sand.u32 $0xC0, s4  }
0xa: {  	s0 =	ssub.s32 $0x2, s0;
	s1 =	smul.u32 $0x1800, s1;
	s16 =	sshrl.u32 s2, $0x6  }
0xb: {  	s31 =	simm.s32 $0x0;
	s17 =	sshrl.u32 s0, $0x1;
	s5 =	sadd.s32 s16, s4  }
0xc: {  	s0 =	ssub.s32 s0, s17;
	s1 =	sadd.s32 s1, s6;
	s3 =	sand.u32 $0xFFFFFFFC, s5  }
0xd: {  	s2 =	rddreg [dreg:$0x0];
	s7 =	ssub.s32 s4, s3;
	s3 =	simm.s32 $0x0  }
0xe: {  	p6 =	slt.s32 s4, $0x1;
	s5 =	sshrl.u32 s5, $0x2;
	[smem:$0x7FF] =	sst s3  }
0xf: {  	s4 =	sadd.s32 $0x30800, s6;
	_ =	strace $0x80000047;
	[dreg:$0x3] =	wrdreg s20  }
0x10: {  	s6 =	simm.s32 $0x1;
	p2 =	sne.s32 s7, $0x0;
	[dreg:$0x4] =	wrdreg s21  }
0x11: {  	s18 =	sshll.u32 s7, $0x5;
	p1 =	por !p6, !p2;
	[dreg:$0x5] =	wrdreg s22  }
0x12: {  	s7 =	smax.u32 s0, $0x1;
	[dreg:$0x6] =	wrdreg s23;
	p1 =	por !p1, !p1  }
0x13: {  	s19 =	sand.u32 $0x60, s18;
	[dreg:$0x7] =	wrdreg s24;
	s8 =	simm.s32 @!p1 $0x0  }
0x14: {  	s22 =	simm.s32 $0x12000;
	[dreg:$0x8] =	wrdreg s25;
	s5 =	ssub.s32 s5, s8  }
0x15: {  	s23 =	simm.s32 $0x380;
	s8 =	simm.s32 $0x600000;
	s9 =	smul.u32 $0xC00000, s5  }
0x16: {  	s24 =	simm.s32 $0x13000;
	[dreg:$0x9] =	wrdreg s26;
	s8 =	simm.s32 @!p0 $0x0  }
0x17: {  	s25 =	simm.s32 $0x14000;
	s26 =	simm.s32 $0x20;
	s8 =	sadd.s32 s8, s9  }
0x18: {  	s5 =	sadd.s32 $0x800, s1;
	s9 =	simm.s32 $0x5;
	s8 =	sor.u32 s19, s8  }
.LBB2_1:
0x19: {  	[tilespmem:s3], [sflag:$0x5] =	stream.linear.gather [hbm4b:s5+s3], $0xC000, $0x38;
	[tilespmem:$0x1C000] =	vst v63  }
0x1a: {  	_ =	swait.ge [sflag:s9], $0xC000  }
0x1b: {  	[sflag:s9] =	ssyncset.done $0x0  }
0x1c: {  	[sflag:s9] =	ssyncadd.s32 $0xFFFF4000  }
0x1d: {  	[tilespmem:s11], [sflag:$0x1] =	stream.indirect.gather [hbm4b:s2+s10], $0x20, s3, s10, $0xb8;
	[tilespmem:$0x1C000] =	vst v63  }
0x1e: {  	s0 =	simm.s32 $0xD000  }
0x1f: {  	[tilespmem:s0], [sflag:$0x1] =	stream.indirect.gather [hbm4b:s2+s10], $0x20, s10, s10, $0xb8;
	[tilespmem:$0x1C000] =	vst v63  }
0x20: {  	s17 =	simm.s32 $0x100;
	s1 =	simm.s32 $0xE000  }
0x21: {  	[tilespmem:s1], [sflag:$0x1] =	stream.indirect.gather [hbm4b:s2+s10], $0x20, s17, s10, $0xb8;
	[tilespmem:$0x1C000] =	vst v63  }
0x22: {  	s18 =	simm.s32 $0x180;
	s19 =	simm.s32 $0xF000  }
0x23: {  	[tilespmem:s19], [sflag:$0x1] =	stream.indirect.gather [hbm4b:s2+s10], $0x20, s18, s10, $0xb8;
	[tilespmem:$0x1C000] =	vst v63  }
0x24: {  	s20 =	simm.s32 $0x200;
	s21 =	simm.s32 $0x10000  }
0x25: {  	[tilespmem:s21], [sflag:$0x1] =	stream.indirect.gather [hbm4b:s2+s10], $0x20, s20, s10, $0xb8;
	[tilespmem:$0x1C000] =	vst v63  }
0x26: {  	s12 =	simm.s32 $0x280;
	s13 =	simm.s32 $0x11000  }
0x27: {  	[tilespmem:s13], [sflag:$0x1] =	stream.indirect.gather [hbm4b:s2+s10], $0x20, s12, s10, $0xb8;
	[tilespmem:$0x1C000] =	vst v63  }
0x28: {  	s14 =	simm.s32 $0x300;
	p0 =	por $0x1, $0x1  }
0x29: {  	[tilespmem:s22], [sflag:$0x1] =	stream.indirect.gather [hbm4b:s2+s10], $0x20, s14, s10, $0xb8;
	[tilespmem:$0x1C000] =	vst v63  }
0x2a: {  	s0 =	simm.s32 @!p0 $0x4  }
0x2b: {  	[tilespmem:s24], [sflag:$0x1] =	stream.indirect.gather [hbm4b:s2+s10], $0x20, s23, s10, $0xb8;
	[tilespmem:$0x1C000] =	vst v63  }
0x2c: {  	_ =	swait.ge @!p0 [sflag:s0], $0x8000  }
0x2d: {  	[sflag:s0] =	ssyncset.done @!p0 $0x0  }
0x2e: {  	s15 =	simm.s32 $0x400;
	[sflag:s0] =	ssyncadd.s32 @!p0 $0xFFFF8000  }
0x2f: {  	[tilespmem:s25], [sflag:$0x2] =	stream.indirect.gather [hbm4b:s2+s10], $0x20, s15, s10, $0xb8;
	[tilespmem:$0x1C000] =	vst v63  }
0x30: {  	s16 =	simm.s32 $0x480;
	s12 =	rddreg [dreg:$0x3]  }
0x31: {  	[tilespmem:s12], [sflag:$0x2] =	stream.indirect.gather [hbm4b:s2+s10], $0x20, s16, s10, $0xb8;
	[tilespmem:$0x1C000] =	vst v63  }
0x32: {  	s18 =	simm.s32 $0x500;
	s17 =	rddreg [dreg:$0x4]  }
0x33: {  	[tilespmem:s17], [sflag:$0x2] =	stream.indirect.gather [hbm4b:s2+s10], $0x20, s18, s10, $0xb8;
	[tilespmem:$0x1C000] =	vst v63  }
0x34: {  	s20 =	simm.s32 $0x580;
	s19 =	rddreg [dreg:$0x5]  }
0x35: {  	[tilespmem:s19], [sflag:$0x2] =	stream.indirect.gather [hbm4b:s2+s10], $0x20, s20, s10, $0xb8;
	[tilespmem:$0x1C000] =	vst v63  }
0x36: {  	s13 =	simm.s32 $0x600;
	s21 =	rddreg [dreg:$0x6]  }
0x37: {  	[tilespmem:s21], [sflag:$0x2] =	stream.indirect.gather [hbm4b:s2+s10], $0x20, s13, s10, $0xb8;
	[tilespmem:$0x1C000] =	vst v63  }
0x38: {  	s14 =	rddreg [dreg:$0x7];
	s15 =	simm.s32 $0x680  }
0x39: {  	[tilespmem:s14], [sflag:$0x2] =	stream.indirect.gather [hbm4b:s2+s10], $0x20, s15, s10, $0xb8;
	[tilespmem:$0x1C000] =	vst v63  }
0x3a: {  	s16 =	rddreg [dreg:$0x8];
	s17 =	simm.s32 $0x700  }
0x3b: {  	[tilespmem:s16], [sflag:$0x2] =	stream.indirect.gather [hbm4b:s2+s10], $0x20, s17, s10, $0xb8;
	[tilespmem:$0x1C000] =	vst v63  }
0x3c: {  	s18 =	rddreg [dreg:$0x9];
	s19 =	simm.s32 $0x780  }
0x3d: {  	[tilespmem:s18], [sflag:$0x2] =	stream.indirect.gather [hbm4b:s2+s10], $0x20, s19, s10, $0xb8;
	[tilespmem:$0x1C000] =	vst v63  }
0x3e: {  	_ =	swait.ge [sflag:s6], $0x1000  }
0x3f: {  	[sflag:s6] =	ssyncset.done $0x0  }
0x40: {  	[sflag:s6] =	ssyncadd.s32 $0xFFFFF000  }
0x41: {  	_ =	swait.ge [sflag:s6], $0x1000  }
0x42: {  	[sflag:s6] =	ssyncset.done $0x0  }
0x43: {  	[sflag:s6] =	ssyncadd.s32 $0xFFFFF000  }
0x44: {  	_ =	swait.ge [sflag:s6], $0x1000  }
0x45: {  	[sflag:s6] =	ssyncset.done $0x0  }
0x46: {  	[sflag:s6] =	ssyncadd.s32 $0xFFFFF000  }
0x47: {  	_ =	swait.ge [sflag:s6], $0x1000  }
0x48: {  	[sflag:s6] =	ssyncset.done $0x0  }
0x49: {  	[sflag:s6] =	ssyncadd.s32 $0xFFFFF000  }
0x4a: {  	_ =	swait.ge [sflag:s6], $0x1000  }
0x4b: {  	[sflag:s6] =	ssyncset.done $0x0  }
0x4c: {  	[sflag:s6] =	ssyncadd.s32 $0xFFFFF000  }
0x4d: {  	_ =	swait.ge [sflag:s6], $0x1000  }
0x4e: {  	[sflag:s6] =	ssyncset.done $0x0  }
0x4f: {  	[sflag:s6] =	ssyncadd.s32 $0xFFFFF000  }
0x50: {  	_ =	swait.ge [sflag:s6], $0x1000  }
0x51: {  	[sflag:s6] =	ssyncset.done $0x0  }
0x52: {  	[sflag:s6] =	ssyncadd.s32 $0xFFFFF000  }
0x53: {  	_ =	swait.ge [sflag:s6], $0x1000  }
0x54: {  	p0 =	por $0x0, $0x0;
	s20 =	sshrl.u32 s8, $0x3;
	[sflag:s6] =	ssyncset.done $0x0  }
0x55: {  	s1 =	simm.s32 @!p0 $0x3;
	s0 =	sadd.s32 s4, s20;
	[sflag:s6] =	ssyncadd.s32 $0xFFFFF000  }
0x56: {  	[hbm4b:s0+s26] =	stream.strided.scatter [tilespmem:s11], [sflag:$0x3], $0x8000, s10, s26, $0x38;
	[tilespmem:$0x1C000] =	vst v63  }
0x57: {  	_ =	swait.ge @!p0 [sflag:s1], $0x8000  }
0x58: {  	s12 =	simm.s32 @!p0 $0x80;
	[sflag:s1] =	ssyncset.done @!p0 $0x0  }
0x59: {  	s13 =	simm.s32 @!p0 $0xC000;
	s0 =	simm.s32 @!p0 $0x800;
	[sflag:s1] =	ssyncadd.s32 @!p0 $0xFFFF8000  }
0x5a: {  	[tilespmem:s13], [sflag:$0x1] =	stream.indirect.gather @!p0 [hbm4b:s2+s12], $0x20, s0, s12, $0xb8;
	[tilespmem:$0x1C000] =	vst v63  }
0x5b: {  	s1 =	simm.s32 @!p0 $0xD000;
	s0 =	simm.s32 @!p0 $0x880  }
0x5c: {  	[tilespmem:s1], [sflag:$0x1] =	stream.indirect.gather @!p0 [hbm4b:s2+s12], $0x20, s0, s12, $0xb8;
	[tilespmem:$0x1C000] =	vst v63  }
0x5d: {  	s0 =	simm.s32 @!p0 $0x900;
	s1 =	simm.s32 @!p0 $0xE000  }
0x5e: {  	[tilespmem:s1], [sflag:$0x1] =	stream.indirect.gather @!p0 [hbm4b:s2+s12], $0x20, s0, s12, $0xb8;
	[tilespmem:$0x1C000] =	vst v63  }
0x5f: {  	s0 =	simm.s32 @!p0 $0x980;
	s1 =	simm.s32 @!p0 $0xF000  }
0x60: {  	[tilespmem:s1], [sflag:$0x1] =	stream.indirect.gather @!p0 [hbm4b:s2+s12], $0x20, s0, s12, $0xb8;
	[tilespmem:$0x1C000] =	vst v63  }
0x61: {  	s0 =	simm.s32 @!p0 $0xA00;
	s1 =	simm.s32 @!p0 $0x10000  }
0x62: {  	[tilespmem:s1], [sflag:$0x1] =	stream.indirect.gather @!p0 [hbm4b:s2+s12], $0x20, s0, s12, $0xb8;
	[tilespmem:$0x1C000] =	vst v63  }
0x63: {  	s0 =	simm.s32 @!p0 $0xA80;
	s1 =	simm.s32 @!p0 $0x11000  }
0x64: {  	[tilespmem:s1], [sflag:$0x1] =	stream.indirect.gather @!p0 [hbm4b:s2+s12], $0x20, s0, s12, $0xb8;
	[tilespmem:$0x1C000] =	vst v63  }
0x65: {  	s0 =	simm.s32 @!p0 $0xB00;
	s1 =	simm.s32 @!p0 $0x12000  }
0x66: {  	[tilespmem:s1], [sflag:$0x1] =	stream.indirect.gather @!p0 [hbm4b:s2+s12], $0x20, s0, s12, $0xb8;
	[tilespmem:$0x1C000] =	vst v63  }
0x67: {  	s0 =	simm.s32 @!p0 $0xB80;
	s1 =	simm.s32 @!p0 $0x13000  }
0x68: {  	[tilespmem:s1], [sflag:$0x1] =	stream.indirect.gather @!p0 [hbm4b:s2+s12], $0x20, s0, s12, $0xb8;
	[tilespmem:$0x1C000] =	vst v63  }
0x69: {  	_ =	swait.ge [sflag:s28], $0x1000  }
0x6a: {  	[sflag:s28] =	ssyncset.done $0x0  }
0x6b: {  	[sflag:s28] =	ssyncadd.s32 $0xFFFFF000  }
0x6c: {  	_ =	swait.ge [sflag:s28], $0x1000  }
0x6d: {  	[sflag:s28] =	ssyncset.done $0x0  }
0x6e: {  	[sflag:s28] =	ssyncadd.s32 $0xFFFFF000  }
0x6f: {  	_ =	swait.ge [sflag:s28], $0x1000  }
0x70: {  	[sflag:s28] =	ssyncset.done $0x0  }
0x71: {  	[sflag:s28] =	ssyncadd.s32 $0xFFFFF000  }
0x72: {  	_ =	swait.ge [sflag:s28], $0x1000  }
0x73: {  	[sflag:s28] =	ssyncset.done $0x0  }
0x74: {  	[sflag:s28] =	ssyncadd.s32 $0xFFFFF000  }
0x75: {  	_ =	swait.ge [sflag:s28], $0x1000  }
0x76: {  	[sflag:s28] =	ssyncset.done $0x0  }
0x77: {  	[sflag:s28] =	ssyncadd.s32 $0xFFFFF000  }
0x78: {  	_ =	swait.ge [sflag:s28], $0x1000  }
0x79: {  	[sflag:s28] =	ssyncset.done $0x0  }
0x7a: {  	[sflag:s28] =	ssyncadd.s32 $0xFFFFF000  }
0x7b: {  	_ =	swait.ge [sflag:s28], $0x1000  }
0x7c: {  	p1 =	por $0x0, $0x0;
	s21 =	sadd.s32 $0x20000, s8;
	[sflag:s28] =	ssyncset.done $0x0  }
0x7d: {  	s13 =	sshrl.u32 s21, $0x3;
	s0 =	simm.s32 $0x2000;
	[sflag:s28] =	ssyncadd.s32 $0xFFFFF000  }
0x7e: {  	s12 =	simm.s32 $0x4000;
	s1 =	sadd.s32 $0x40000, s8;
	_ =	swait.ge [sflag:s28], $0x1000  }
.LBB2_2:
0x7f: {  	[sflag:s28] =	ssyncset.done $0x0  }
0x80: {  	s14 =	simm.s32 @!p1 $0x4;
	s15 =	sadd.s32 s4, s13;
	[sflag:s28] =	ssyncadd.s32 $0xFFFFF000  }
0x81: {  	[hbm4b:s15+s26] =	stream.strided.scatter [tilespmem:s25], [sflag:$0x4], $0x8000, s10, s26, $0x38;
	[tilespmem:$0x1C000] =	vst v63  }
0x82: {  	_ =	swait.ge @!p1 [sflag:s14], $0x8000  }
0x83: {  	s15 =	sshra.s32 s0, $0x2;
	[sflag:s14] =	ssyncset.done @!p1 $0x0  }
0x84: {  	s16 =	sadd.s32 $0x400, s15;
	[sflag:s14] =	ssyncadd.s32 @!p1 $0xFFFF8000  }
0x85: {  	[tilespmem:s25], [sflag:$0x2] =	stream.indirect.gather [hbm4b:s2+s10], $0x20, s16, s10, $0xb8;
	[tilespmem:$0x1C000] =	vst v63  }
0x86: {  	s20 =	sadd.s32 $0x480, s15;
	s17 =	rddreg [dreg:$0x3]  }
0x87: {  	[tilespmem:s17], [sflag:$0x2] =	stream.indirect.gather [hbm4b:s2+s10], $0x20, s20, s10, $0xb8;
	[tilespmem:$0x1C000] =	vst v63  }
0x88: {  	s18 =	sadd.s32 $0x500, s15;
	s21 =	rddreg [dreg:$0x4]  }
0x89: {  	[tilespmem:s21], [sflag:$0x2] =	stream.indirect.gather [hbm4b:s2+s10], $0x20, s18, s10, $0xb8;
	[tilespmem:$0x1C000] =	vst v63  }
0x8a: {  	s19 =	rddreg [dreg:$0x5];
	s20 =	sadd.s32 $0x580, s15  }
0x8b: {  	[tilespmem:s19], [sflag:$0x2] =	stream.indirect.gather [hbm4b:s2+s10], $0x20, s20, s10, $0xb8;
	[tilespmem:$0x1C000] =	vst v63  }
0x8c: {  	s21 =	rddreg [dreg:$0x6];
	s18 =	sadd.s32 $0x600, s15  }
0x8d: {  	[tilespmem:s21], [sflag:$0x2] =	stream.indirect.gather [hbm4b:s2+s10], $0x20, s18, s10, $0xb8;
	[tilespmem:$0x1C000] =	vst v63  }
0x8e: {  	s19 =	rddreg [dreg:$0x7];
	s20 =	sadd.s32 $0x680, s15  }
0x8f: {  	[tilespmem:s19], [sflag:$0x2] =	stream.indirect.gather [hbm4b:s2+s10], $0x20, s20, s10, $0xb8;
	[tilespmem:$0x1C000] =	vst v63  }
0x90: {  	s17 =	sadd.s32 $0x700, s15;
	s21 =	rddreg [dreg:$0x8]  }
0x91: {  	[tilespmem:s21], [sflag:$0x2] =	stream.indirect.gather [hbm4b:s2+s10], $0x20, s17, s10, $0xb8;
	[tilespmem:$0x1C000] =	vst v63  }
0x92: {  	s18 =	rddreg [dreg:$0x9];
	s19 =	sadd.s32 $0x780, s15  }
0x93: {  	[tilespmem:s18], [sflag:$0x2] =	stream.indirect.gather [hbm4b:s2+s10], $0x20, s19, s10, $0xb8;
	[tilespmem:$0x1C000] =	vst v63  }
0x94: {  	_ =	swait.ge [sflag:s6], $0x1000  }
0x95: {  	[sflag:s6] =	ssyncset.done $0x0  }
0x96: {  	[sflag:s6] =	ssyncadd.s32 $0xFFFFF000  }
0x97: {  	_ =	swait.ge [sflag:s6], $0x1000  }
0x98: {  	[sflag:s6] =	ssyncset.done $0x0  }
0x99: {  	[sflag:s6] =	ssyncadd.s32 $0xFFFFF000  }
0x9a: {  	_ =	swait.ge [sflag:s6], $0x1000  }
0x9b: {  	[sflag:s6] =	ssyncset.done $0x0  }
0x9c: {  	[sflag:s6] =	ssyncadd.s32 $0xFFFFF000  }
0x9d: {  	_ =	swait.ge [sflag:s6], $0x1000  }
0x9e: {  	[sflag:s6] =	ssyncset.done $0x0  }
0x9f: {  	[sflag:s6] =	ssyncadd.s32 $0xFFFFF000  }
0xa0: {  	_ =	swait.ge [sflag:s6], $0x1000  }
0xa1: {  	[sflag:s6] =	ssyncset.done $0x0  }
0xa2: {  	[sflag:s6] =	ssyncadd.s32 $0xFFFFF000  }
0xa3: {  	_ =	swait.ge [sflag:s6], $0x1000  }
0xa4: {  	[sflag:s6] =	ssyncset.done $0x0  }
0xa5: {  	[sflag:s6] =	ssyncadd.s32 $0xFFFFF000  }
0xa6: {  	_ =	swait.ge [sflag:s6], $0x1000  }
0xa7: {  	[sflag:s6] =	ssyncset.done $0x0  }
0xa8: {  	[sflag:s6] =	ssyncadd.s32 $0xFFFFF000  }
0xa9: {  	_ =	swait.ge [sflag:s6], $0x1000  }
0xaa: {  	p1 =	seq.s32 s0, $0x2E000;
	s20 =	sshrl.u32 s1, $0x3;
	[sflag:s6] =	ssyncset.done $0x0  }
0xab: {  	s15 =	simm.s32 @!p1 $0x3;
	s14 =	sadd.s32 s4, s20;
	[sflag:s6] =	ssyncadd.s32 $0xFFFFF000  }
0xac: {  	[hbm4b:s14+s26] =	stream.strided.scatter [tilespmem:s11], [sflag:$0x3], $0x8000, s10, s26, $0x38;
	[tilespmem:$0x1C000] =	vst v63  }
0xad: {  	_ =	swait.ge @!p1 [sflag:s15], $0x8000  }
0xae: {  	s0 =	sshra.s32 @!p1 s0, $0x2;
	s17 =	simm.s32 @!p1 $0x80;
	[sflag:s15] =	ssyncset.done @!p1 $0x0  }
0xaf: {  	s18 =	simm.s32 @!p1 $0xC000;
	s14 =	sadd.s32 @!p1 $0x800, s0;
	[sflag:s15] =	ssyncadd.s32 @!p1 $0xFFFF8000  }
0xb0: {  	[tilespmem:s18], [sflag:$0x1] =	stream.indirect.gather @!p1 [hbm4b:s2+s17], $0x20, s14, s17, $0xb8;
	[tilespmem:$0x1C000] =	vst v63  }
0xb1: {  	s16 =	sadd.s32 @!p1 $0x880, s0;
	s15 =	simm.s32 @!p1 $0xD000  }
0xb2: {  	[tilespmem:s15], [sflag:$0x1] =	stream.indirect.gather @!p1 [hbm4b:s2+s17], $0x20, s16, s17, $0xb8;
	[tilespmem:$0x1C000] =	vst v63  }
0xb3: {  	s13 =	smov.u32 s12;
	s19 =	sadd.s32 @!p1 $0x900, s0;
	s14 =	simm.s32 @!p1 $0xE000  }
0xb4: {  	[tilespmem:s14], [sflag:$0x1] =	stream.indirect.gather @!p1 [hbm4b:s2+s17], $0x20, s19, s17, $0xb8;
	[tilespmem:$0x1C000] =	vst v63  }
0xb5: {  	s20 =	sadd.s32 @!p1 $0xA00, s0;
	s18 =	sadd.s32 @!p1 $0x980, s0;
	s15 =	simm.s32 @!p1 $0xF000  }
0xb6: {  	[tilespmem:s15], [sflag:$0x1] =	stream.indirect.gather @!p1 [hbm4b:s2+s17], $0x20, s18, s17, $0xb8;
	[tilespmem:$0x1C000] =	vst v63  }
0xb7: {  	s21 =	sadd.s32 @!p1 $0xB00, s0;
	s16 =	sadd.s32 @!p1 $0xA80, s0;
	s14 =	simm.s32 @!p1 $0x10000  }
0xb8: {  	[tilespmem:s14], [sflag:$0x1] =	stream.indirect.gather @!p1 [hbm4b:s2+s17], $0x20, s20, s17, $0xb8;
	[tilespmem:$0x1C000] =	vst v63  }
0xb9: {  	s19 =	sadd.s32 @!p1 $0xB80, s0;
	s0 =	smov.u32 s13;
	s13 =	simm.s32 @!p1 $0x11000  }
0xba: {  	[tilespmem:s13], [sflag:$0x1] =	stream.indirect.gather @!p1 [hbm4b:s2+s17], $0x20, s16, s17, $0xb8;
	[tilespmem:$0x1C000] =	vst v63  }
0xbb: {  	s14 =	simm.s32 @!p1 $0x12000  }
0xbc: {  	[tilespmem:s14], [sflag:$0x1] =	stream.indirect.gather @!p1 [hbm4b:s2+s17], $0x20, s21, s17, $0xb8;
	[tilespmem:$0x1C000] =	vst v63  }
0xbd: {  	s13 =	simm.s32 @!p1 $0x13000  }
0xbe: {  	[tilespmem:s13], [sflag:$0x1] =	stream.indirect.gather @!p1 [hbm4b:s2+s17], $0x20, s19, s17, $0xb8;
	[tilespmem:$0x1C000] =	vst v63  }
0xbf: {  	_ =	swait.ge [sflag:s28], $0x1000  }
0xc0: {  	[sflag:s28] =	ssyncset.done $0x0  }
0xc1: {  	[sflag:s28] =	ssyncadd.s32 $0xFFFFF000  }
0xc2: {  	_ =	swait.ge [sflag:s28], $0x1000  }
0xc3: {  	[sflag:s28] =	ssyncset.done $0x0  }
0xc4: {  	[sflag:s28] =	ssyncadd.s32 $0xFFFFF000  }
0xc5: {  	_ =	swait.ge [sflag:s28], $0x1000  }
0xc6: {  	[sflag:s28] =	ssyncset.done $0x0  }
0xc7: {  	[sflag:s28] =	ssyncadd.s32 $0xFFFFF000  }
0xc8: {  	_ =	swait.ge [sflag:s28], $0x1000  }
0xc9: {  	[sflag:s28] =	ssyncset.done $0x0  }
0xca: {  	[sflag:s28] =	ssyncadd.s32 $0xFFFFF000  }
0xcb: {  	_ =	swait.ge [sflag:s28], $0x1000  }
0xcc: {  	[sflag:s28] =	ssyncset.done $0x0  }
0xcd: {  	[sflag:s28] =	ssyncadd.s32 $0xFFFFF000  }
0xce: {  	s12 =	sadd.s32 $0x2000, s12;
	_ =	swait.ge [sflag:s28], $0x1000  }
0xcf: {  	p0 =	sne.s32 s12, $0x30000;
	[sflag:s28] =	ssyncset.done $0x0  }
.Ltmp0:
0xd0: {  	[sflag:s28] =	ssyncadd.s32 $0xFFFFF000;
	(pc) =	sbr.rel @p0 .LBB2_2-.Ltmp0, $4  }
0xd1: {  	_ =	swait.ge [sflag:s28], $0x1000  }
0xd2: {  	[sflag:s28] =	ssyncset.done $0x0  }
0xd3: {  	s21 =	sadd.s32 $0x20000, s1;
	s1 =	sadd.s32 $0x40000, s1;
	[sflag:s28] =	ssyncadd.s32 $0xFFFFF000  }
0xd4: {  	p1 =	seq.s32 s0, $0x0;
	s13 =	sshrl.u32 s21, $0x3;
	_ =	swait.ge [sflag:s28], $0x1000  }
0xd5: {  	[sflag:s28] =	ssyncset.done $0x0  }
0xd6: {  	s12 =	simm.s32 @!p1 $0x4;
	s13 =	sadd.s32 s4, s13;
	[sflag:s28] =	ssyncadd.s32 $0xFFFFF000  }
0xd7: {  	[hbm4b:s13+s26] =	stream.strided.scatter [tilespmem:s25], [sflag:$0x4], $0x8000, s10, s26, $0x38;
	[tilespmem:$0x1C000] =	vst v63  }
0xd8: {  	_ =	swait.ge @!p1 [sflag:s12], $0x8000  }
0xd9: {  	s13 =	sshra.s32 s0, $0x2;
	[sflag:s12] =	ssyncset.done @!p1 $0x0  }
0xda: {  	s14 =	sadd.s32 $0x400, s13;
	[sflag:s12] =	ssyncadd.s32 @!p1 $0xFFFF8000  }
0xdb: {  	[tilespmem:s25], [sflag:$0x2] =	stream.indirect.gather [hbm4b:s2+s10], $0x20, s14, s10, $0xb8;
	[tilespmem:$0x1C000] =	vst v63  }
0xdc: {  	s20 =	sadd.s32 $0x480, s13;
	s15 =	rddreg [dreg:$0x3]  }
0xdd: {  	[tilespmem:s15], [sflag:$0x2] =	stream.indirect.gather [hbm4b:s2+s10], $0x20, s20, s10, $0xb8;
	[tilespmem:$0x1C000] =	vst v63  }
0xde: {  	s16 =	sadd.s32 $0x500, s13;
	s21 =	rddreg [dreg:$0x4]  }
0xdf: {  	[tilespmem:s21], [sflag:$0x2] =	stream.indirect.gather [hbm4b:s2+s10], $0x20, s16, s10, $0xb8;
	[tilespmem:$0x1C000] =	vst v63  }
0xe0: {  	s18 =	sadd.s32 $0x580, s13;
	s17 =	rddreg [dreg:$0x5]  }
0xe1: {  	[tilespmem:s17], [sflag:$0x2] =	stream.indirect.gather [hbm4b:s2+s10], $0x20, s18, s10, $0xb8;
	[tilespmem:$0x1C000] =	vst v63  }
0xe2: {  	s19 =	rddreg [dreg:$0x6];
	s20 =	sadd.s32 $0x600, s13  }
0xe3: {  	[tilespmem:s19], [sflag:$0x2] =	stream.indirect.gather [hbm4b:s2+s10], $0x20, s20, s10, $0xb8;
	[tilespmem:$0x1C000] =	vst v63  }
0xe4: {  	s14 =	sadd.s32 $0x680, s13;
	s21 =	rddreg [dreg:$0x7]  }
0xe5: {  	[tilespmem:s21], [sflag:$0x2] =	stream.indirect.gather [hbm4b:s2+s10], $0x20, s14, s10, $0xb8;
	[tilespmem:$0x1C000] =	vst v63  }
0xe6: {  	s16 =	rddreg [dreg:$0x8];
	s17 =	sadd.s32 $0x700, s13  }
0xe7: {  	[tilespmem:s16], [sflag:$0x2] =	stream.indirect.gather [hbm4b:s2+s10], $0x20, s17, s10, $0xb8;
	[tilespmem:$0x1C000] =	vst v63  }
0xe8: {  	s18 =	rddreg [dreg:$0x9];
	s19 =	sadd.s32 $0x780, s13  }
0xe9: {  	[tilespmem:s18], [sflag:$0x2] =	stream.indirect.gather [hbm4b:s2+s10], $0x20, s19, s10, $0xb8;
	[tilespmem:$0x1C000] =	vst v63  }
0xea: {  	_ =	swait.ge [sflag:s6], $0x1000  }
0xeb: {  	[sflag:s6] =	ssyncset.done $0x0  }
0xec: {  	[sflag:s6] =	ssyncadd.s32 $0xFFFFF000  }
0xed: {  	_ =	swait.ge [sflag:s6], $0x1000  }
0xee: {  	[sflag:s6] =	ssyncset.done $0x0  }
0xef: {  	[sflag:s6] =	ssyncadd.s32 $0xFFFFF000  }
0xf0: {  	_ =	swait.ge [sflag:s6], $0x1000  }
0xf1: {  	[sflag:s6] =	ssyncset.done $0x0  }
0xf2: {  	[sflag:s6] =	ssyncadd.s32 $0xFFFFF000  }
0xf3: {  	_ =	swait.ge [sflag:s6], $0x1000  }
0xf4: {  	[sflag:s6] =	ssyncset.done $0x0  }
0xf5: {  	[sflag:s6] =	ssyncadd.s32 $0xFFFFF000  }
0xf6: {  	_ =	swait.ge [sflag:s6], $0x1000  }
0xf7: {  	[sflag:s6] =	ssyncset.done $0x0  }
0xf8: {  	[sflag:s6] =	ssyncadd.s32 $0xFFFFF000  }
0xf9: {  	_ =	swait.ge [sflag:s6], $0x1000  }
0xfa: {  	[sflag:s6] =	ssyncset.done $0x0  }
0xfb: {  	[sflag:s6] =	ssyncadd.s32 $0xFFFFF000  }
0xfc: {  	_ =	swait.ge [sflag:s6], $0x1000  }
0xfd: {  	[sflag:s6] =	ssyncset.done $0x0  }
0xfe: {  	[sflag:s6] =	ssyncadd.s32 $0xFFFFF000  }
0xff: {  	_ =	swait.ge [sflag:s6], $0x1000  }
0x100: {  	p0 =	seq.s32 s0, $0x2E000;
	s20 =	sshrl.u32 s1, $0x3;
	[sflag:s6] =	ssyncset.done $0x0  }
0x101: {  	s13 =	simm.s32 @!p0 $0x3;
	s12 =	sadd.s32 s4, s20;
	[sflag:s6] =	ssyncadd.s32 $0xFFFFF000  }
0x102: {  	[hbm4b:s12+s26] =	stream.strided.scatter [tilespmem:s11], [sflag:$0x3], $0x8000, s10, s26, $0x38;
	[tilespmem:$0x1C000] =	vst v63  }
0x103: {  	_ =	swait.ge @!p0 [sflag:s13], $0x8000  }
0x104: {  	s0 =	sshra.s32 @!p0 s0, $0x2;
	s15 =	simm.s32 @!p0 $0xC000;
	[sflag:s13] =	ssyncset.done @!p0 $0x0  }
0x105: {  	s14 =	simm.s32 @!p0 $0x80;
	s12 =	sadd.s32 @!p0 $0x800, s0;
	[sflag:s13] =	ssyncadd.s32 @!p0 $0xFFFF8000  }
0x106: {  	[tilespmem:s15], [sflag:$0x1] =	stream.indirect.gather @!p0 [hbm4b:s2+s14], $0x20, s12, s14, $0xb8;
	[tilespmem:$0x1C000] =	vst v63  }
0x107: {  	s13 =	simm.s32 @!p0 $0xD000;
	s12 =	sadd.s32 @!p0 $0x880, s0  }
0x108: {  	[tilespmem:s13], [sflag:$0x1] =	stream.indirect.gather @!p0 [hbm4b:s2+s14], $0x20, s12, s14, $0xb8;
	[tilespmem:$0x1C000] =	vst v63  }
0x109: {  	s12 =	sadd.s32 @!p0 $0x900, s0;
	s13 =	simm.s32 @!p0 $0xE000  }
0x10a: {  	[tilespmem:s13], [sflag:$0x1] =	stream.indirect.gather @!p0 [hbm4b:s2+s14], $0x20, s12, s14, $0xb8;
	[tilespmem:$0x1C000] =	vst v63  }
0x10b: {  	s12 =	sadd.s32 @!p0 $0x980, s0;
	s13 =	simm.s32 @!p0 $0xF000  }
0x10c: {  	[tilespmem:s13], [sflag:$0x1] =	stream.indirect.gather @!p0 [hbm4b:s2+s14], $0x20, s12, s14, $0xb8;
	[tilespmem:$0x1C000] =	vst v63  }
0x10d: {  	s12 =	sadd.s32 @!p0 $0xA00, s0;
	s13 =	simm.s32 @!p0 $0x10000  }
0x10e: {  	[tilespmem:s13], [sflag:$0x1] =	stream.indirect.gather @!p0 [hbm4b:s2+s14], $0x20, s12, s14, $0xb8;
	[tilespmem:$0x1C000] =	vst v63  }
0x10f: {  	s12 =	sadd.s32 @!p0 $0xA80, s0;
	s13 =	simm.s32 @!p0 $0x11000  }
0x110: {  	[tilespmem:s13], [sflag:$0x1] =	stream.indirect.gather @!p0 [hbm4b:s2+s14], $0x20, s12, s14, $0xb8;
	[tilespmem:$0x1C000] =	vst v63  }
0x111: {  	s12 =	sadd.s32 @!p0 $0xB00, s0;
	s13 =	simm.s32 @!p0 $0x12000  }
0x112: {  	[tilespmem:s13], [sflag:$0x1] =	stream.indirect.gather @!p0 [hbm4b:s2+s14], $0x20, s12, s14, $0xb8;
	[tilespmem:$0x1C000] =	vst v63  }
0x113: {  	s0 =	sadd.s32 @!p0 $0xB80, s0;
	s12 =	simm.s32 @!p0 $0x13000  }
0x114: {  	[tilespmem:s12], [sflag:$0x1] =	stream.indirect.gather @!p0 [hbm4b:s2+s14], $0x20, s0, s14, $0xb8;
	[tilespmem:$0x1C000] =	vst v63  }
0x115: {  	_ =	swait.ge [sflag:s28], $0x1000  }
0x116: {  	[sflag:s28] =	ssyncset.done $0x0  }
0x117: {  	[sflag:s28] =	ssyncadd.s32 $0xFFFFF000  }
0x118: {  	_ =	swait.ge [sflag:s28], $0x1000  }
0x119: {  	[sflag:s28] =	ssyncset.done $0x0  }
0x11a: {  	[sflag:s28] =	ssyncadd.s32 $0xFFFFF000  }
0x11b: {  	_ =	swait.ge [sflag:s28], $0x1000  }
0x11c: {  	[sflag:s28] =	ssyncset.done $0x0  }
0x11d: {  	[sflag:s28] =	ssyncadd.s32 $0xFFFFF000  }
0x11e: {  	_ =	swait.ge [sflag:s28], $0x1000  }
0x11f: {  	[sflag:s28] =	ssyncset.done $0x0  }
0x120: {  	[sflag:s28] =	ssyncadd.s32 $0xFFFFF000  }
0x121: {  	_ =	swait.ge [sflag:s28], $0x1000  }
0x122: {  	[sflag:s28] =	ssyncset.done $0x0  }
0x123: {  	[sflag:s28] =	ssyncadd.s32 $0xFFFFF000  }
0x124: {  	_ =	swait.ge [sflag:s28], $0x1000  }
0x125: {  	[sflag:s28] =	ssyncset.done $0x0  }
0x126: {  	[sflag:s28] =	ssyncadd.s32 $0xFFFFF000  }
0x127: {  	_ =	swait.ge [sflag:s28], $0x1000  }
0x128: {  	[sflag:s28] =	ssyncset.done $0x0  }
0x129: {  	[sflag:s28] =	ssyncadd.s32 $0xFFFFF000  }
0x12a: {  	s21 =	sadd.s32 $0x20000, s1;
	_ =	swait.ge [sflag:s28], $0x1000  }
0x12b: {  	s0 =	sshrl.u32 s21, $0x3;
	[sflag:s28] =	ssyncset.done $0x0  }
0x12c: {  	s31 =	sadd.s32 $0x1, s31;
	s0 =	sadd.s32 s4, s0;
	[sflag:s28] =	ssyncadd.s32 $0xFFFFF000  }
0x12d: {  	[hbm4b:s0+s26] =	stream.strided.scatter [tilespmem:s25], [sflag:$0x4], $0x8000, s10, s26, $0x38;
	[tilespmem:$0x1C000] =	vst v63  }
0x12e: {  	p0 =	sne.s32 s31, s7;
	_ =	swait.ge [sflag:s29], $0x8000  }
.Ltmp1:
0x12f: {  	[sflag:s29] =	ssyncset.done $0x0;
	(pc) =	sbr.rel @p0 .LBB2_1-.Ltmp1, $4  }
0x130: {  	[sflag:s29] =	ssyncadd.s32 $0xFFFF8000  }
0x131: {  	_ =	swait.ge [sflag:s30], $0x8000  }
0x132: {  	[sflag:s30] =	ssyncset.done $0x0  }
0x133: {  	[sflag:s30] =	ssyncadd.s32 $0xFFFF8000  }
0x134: {  	_ =	sfence.sel $0x180000  }
0x135: {  	[bflag:$0x0] =	sbarrier.arrive $0xFFFF  }
0x136: {  	_ =	strace $0x90000047  }
0x137: {  	s0 =	stileid.u32;
	[bflag:$0x2] =	sbarrier.arrive $0xFFFF  }
0x138: {  	p0 =	sne.s32 s0, $0x0;
	s0 =	rddreg [dreg:$0x2]  }
0x139: {  	s0 =	sadd.s32 @!p0 $0x100000, s0  }
0x13a: {  	[sflag:s0] =	ssyncadd.tile.s32 @!p0 $0x1;
	_ =	shalt  }
.Lfunc_end2:
_tile_overlayer_lowered:
.L_overlay_start_2:
0x13b: {  	(tag) =	ssettag $0x2  }
0x13c: {  	s0 =	rddreg [dreg:$0x0];
	s2 =	stileid.u32  }
0x13d: {  	s1 =	rddreg [dreg:$0x1];
	p0 =	sne.s32 s2, $0x0  }
0x13e: {  	s3 =	rddreg [dreg:$0x2];
	[bflag:$0x3] =	sbarrier.arrive $0xFFFF;
	s2 =	simm.s32 @!p0 $0x1C05  }
0x13f: {  	[timem:s3], [sflag:s2] =	dma.local @!p0 [hbm:s0], s1  }
0x140: {  	s0 =	simm.s32 @!p0 $0x5  }
0x141: {  	_ =	swait.ge @!p0 [sflag:s0], s1  }
0x142: {  	s1 =	ssub.s32 @!p0 $0x0, s1;
	[sflag:s0] =	ssyncset.done @!p0 $0x0  }
0x143: {  	[sflag:s0] =	ssyncadd.s32 @!p0 s1  }
0x144: {  	[bflag:$0x3] =	sbarrier.arrive $0xFFFF  }
0x145: {  	_ =	shalt  }

</sc_bundles>
